<compile_context>
chip_gen: v7x
topology: tpu7x:2x2x1
jax: 0.10.2.dev20260603
libtpu: 0.0.44.dev20260713+nightly
codegen_flags: <defaults>
</compile_context>

<pallas_src>
import functools

import jax
import jax.numpy as jnp
from jax import lax
from jax.experimental import pallas as pl
from jax.experimental.pallas import tpu as pltpu
from jax.experimental.pallas import tpu_sc as plsc

M_TOTAL = 18432
N_CODES = 8192
D = 64
COMMIT = 0.25

M_BLK = 2048
N_WINDOWS = (0, 4096, 8192)
N_BLK = 2048

NC = 2
NS = 16
NW = NC * NS
BPW = M_TOTAL // NW
CH = 96
NCH = BPW // CH


def _argmin_body(x_ref, e_ref, a_ref, b_ref, idx_ref):
    x = x_ref[...]
    a = a_ref[...]
    best_val = jnp.full((M_BLK,), jnp.inf, jnp.float32)
    best_idx = jnp.zeros((M_BLK,), jnp.int32)
    for s, t in zip(N_WINDOWS[:-1], N_WINDOWS[1:]):
        wmin = jnp.full((M_BLK,), jnp.inf, jnp.float32)
        widx = jnp.zeros((M_BLK,), jnp.int32)
        for u in range(s, t, N_BLK):
            e = e_ref[pl.ds(u, N_BLK), :]
            b = b_ref[pl.ds(u, N_BLK)]
            c = lax.dot_general(x, e, (((1,), (1,)), ((), ())),
                                preferred_element_type=jnp.float32)
            dist = (a[:, None] + b[None, :]) - 2.0 * c
            cmin = jnp.min(dist, axis=1)
            ids = lax.broadcasted_iota(jnp.int32, (M_BLK, N_BLK),
                                       1).astype(jnp.float32)
            locf = jnp.min(jnp.where(dist == cmin[:, None], ids,
                                     jnp.float32(1e30)), axis=1)
            loc = locf.astype(jnp.int32) + jnp.int32(u)
            take = cmin < wmin
            wmin = jnp.minimum(cmin, wmin)
            widx = jnp.where(take, loc, widx)
        take = wmin < best_val
        best_val = jnp.minimum(wmin, best_val)
        best_val = best_val.astype(jnp.bfloat16).astype(jnp.float32)
        best_idx = jnp.where(take, widx, best_idx)
    idx_ref[...] = best_idx


def _argmin_call(inputs, embedding):
    a = jnp.sum(inputs ** 2, axis=1, keepdims=True)[:, 0]
    b = jnp.sum(embedding ** 2, axis=1)
    return pl.pallas_call(
        _argmin_body,
        grid=(M_TOTAL // M_BLK,),
        in_specs=[
            pl.BlockSpec((M_BLK, D), lambda i: (i, 0)),
            pl.BlockSpec((N_CODES, D), lambda i: (0, 0)),
            pl.BlockSpec((M_BLK,), lambda i: (i,)),
            pl.BlockSpec((N_CODES,), lambda i: (0,)),
        ],
        out_specs=pl.BlockSpec((M_BLK,), lambda i: (i,)),
        out_shape=jax.ShapeDtypeStruct((M_TOTAL,), jnp.int32),
        compiler_params=pltpu.CompilerParams(
            dimension_semantics=("arbitrary",),
        ),
    )(inputs, embedding, a, b)


def _sc_body(idx_hbm, x_hbm, table_hbm,
             q_hbm, counts_hbm, part_hbm,
             idx_v, rows_v, x_v, ones_v, acc_v, zero_v, shared_counts,
             gsem, xsem, ssem):
    cid = lax.axis_index("c")
    sid = lax.axis_index("s")
    wid = sid * NC + cid
    base = wid * BPW

    for c in range(NCH):
        pltpu.sync_copy(idx_hbm.at[pl.ds(base + c * CH, CH)], idx_v.at[c])
    gathers = [pltpu.async_copy(table_hbm.at[idx_v.at[c]],
                                rows_v.at[pl.ds(c * CH, CH)], gsem)
               for c in range(NCH)]
    xcopy = pltpu.async_copy(x_hbm.at[pl.ds(base, BPW)], x_v, xsem)

    ones = jnp.ones((16,), jnp.float32)
    zero = jnp.zeros((16,), jnp.float32)
    for j in range(CH // 16):
        ones_v[pl.ds(j * 16, 16)] = ones

    def _zero_body(j, _):
        zero_v[pl.ds(j * 16, 16)] = zero
        return 0
    lax.fori_loop(0, N_CODES // 16, _zero_body, 0, unroll=8)

    for g in gathers:
        g.wait()
    xcopy.wait()

    @pl.when(sid == 0)
    def _():
        pltpu.sync_copy(zero_v, shared_counts)
    plsc.subcore_barrier()
    for c in range(NCH):
        pltpu.async_copy(ones_v, shared_counts.at[idx_v.at[c]], ssem,
                         add=True).wait()

    def _st_body(r, acc):
        for k in range(D // 16):
            sl = pl.ds(k * 16, 16)
            q = rows_v[r, sl]
            x = x_v[r, sl]
            dlt = q - x
            acc = acc + dlt * dlt
            rows_v[r, sl] = x + dlt
        return acc
    acc = lax.fori_loop(0, BPW, _st_body, jnp.zeros((16,), jnp.float32),
                        unroll=8)
    acc_v[...] = acc

    pltpu.sync_copy(rows_v, q_hbm.at[pl.ds(base, BPW)])
    pltpu.sync_copy(acc_v, part_hbm.at[wid])

    plsc.subcore_barrier()

    @pl.when(sid == 0)
    def _():
        pltpu.sync_copy(shared_counts, counts_hbm.at[cid])


def _sc_call(idx, inputs, embedding):
    mesh = plsc.VectorSubcoreMesh(core_axis_name="c", subcore_axis_name="s",
                                  num_cores=NC, num_subcores=NS)
    f = pl.kernel(
        _sc_body,
        out_type=[
            jax.ShapeDtypeStruct((M_TOTAL, D), jnp.float32),
            jax.ShapeDtypeStruct((NC, N_CODES), jnp.float32),
            jax.ShapeDtypeStruct((NW, 16), jnp.float32),
        ],
        mesh=mesh,
        scratch_types=[
            pltpu.VMEM((NCH, CH), jnp.int32),
            pltpu.VMEM((BPW, D), jnp.float32),
            pltpu.VMEM((BPW, D), jnp.float32),
            pltpu.VMEM((CH,), jnp.float32),
            pltpu.VMEM((16,), jnp.float32),
            pltpu.VMEM((N_CODES,), jnp.float32),
            pltpu.VMEM_SHARED((N_CODES,), jnp.float32),
            pltpu.SemaphoreType.DMA,
            pltpu.SemaphoreType.DMA,
            pltpu.SemaphoreType.DMA,
        ],
        compiler_params=pltpu.CompilerParams(use_tc_tiling_on_sc=False),
    )
    return f(idx, inputs, embedding)


def _final_body(counts_ref, part_ref, loss_ref, perp_ref):
    counts = counts_ref[0, :] + counts_ref[1, :]
    avg = counts / jnp.float32(M_TOTAL)
    ent = jnp.sum(avg * jnp.log(avg + 1e-10))
    perp_ref[...] = jnp.exp(jnp.full((8, 128), -ent, jnp.float32))
    total = jnp.sum(part_ref[...])
    loss_ref[...] = jnp.full((8, 128),
                             COMMIT * (total / jnp.float32(M_TOTAL * D)),
                             jnp.float32)


def _final_call(counts, partials):
    return pl.pallas_call(
        _final_body,
        out_shape=[
            jax.ShapeDtypeStruct((8, 128), jnp.float32),
            jax.ShapeDtypeStruct((8, 128), jnp.float32),
        ],
    )(counts, partials)


def kernel(inputs, embedding):
    idx = _argmin_call(inputs, embedding)
    quantized_st, counts, partials = _sc_call(idx, inputs, embedding)
    loss_b, perp_b = _final_call(counts, partials)
    return quantized_st, loss_b[0, 0], perp_b[0, 0]

# --- scband reference (transcript-rebuilt; emitter-appended) ---
"""Pipeline reference for scband-vector-quantizer-ema-61306363183363 (READ-ONLY COPY).

The authoritative reference and input builder live on the scoring server;
editing this copy changes nothing except your own understanding.
"""

import jax, jax.numpy as jnp
import numpy as np

NUM_EMBEDDINGS = 8192
EMBEDDING_DIM = 64
COMMITMENT_COST = 0.25


def setup_inputs(seed: int = 0) -> dict:
    key = jax.random.key(seed)
    k1, k2 = jax.random.split(key)
    inputs = jax.random.normal(k1, (18432, EMBEDDING_DIM), dtype=jnp.float32)
    # learned/buffer codebook (registered buffer 'embedding' in the torch module)
    embedding = jax.random.normal(k2, (NUM_EMBEDDINGS, EMBEDDING_DIM), dtype=jnp.float32)
    return {"inputs": inputs, "embedding": embedding}


def reference(inputs, embedding):
    # distances[i, j] = ||x_i||^2 + ||e_j||^2 - 2 <x_i, e_j>
    distances = (
        jnp.sum(inputs ** 2, axis=1, keepdims=True)
        + jnp.sum(embedding ** 2, axis=1)
        - 2.0 * jnp.matmul(inputs, embedding.T)
    )
    encoding_indices = jnp.argmin(distances, axis=1)
    # one-hot encodings, then quantize via matmul (faithful to torch scatter_ + matmul)
    encodings = jax.nn.one_hot(encoding_indices, NUM_EMBEDDINGS, dtype=embedding.dtype)
    quantized = jnp.matmul(encodings, embedding)
    # NOTE: in the torch module the EMA buffer updates (training branch) happen AFTER
    # quantized/loss are computed and do not affect any returned output, so the
    # returned values are identical in train/eval; EMA state mutation is omitted here.
    e_latent_loss = jnp.mean((jax.lax.stop_gradient(quantized) - inputs) ** 2)
    loss = COMMITMENT_COST * e_latent_loss
    # straight-through estimator
    quantized_st = inputs + jax.lax.stop_gradient(quantized - inputs)
    avg_probs = jnp.mean(encodings, axis=0)
    perplexity = jnp.exp(-jnp.sum(avg_probs * jnp.log(avg_probs + 1e-10)))
    return (quantized_st, loss, perplexity)

if __name__ == "__main__":
    import jax
    _d = setup_inputs()
    print(jax.jit(kernel)(*tuple(_d.values())))

</pallas_src>

<mosaic_0001>
#map = affine_map<(d0, d1) -> (0)>
#map1 = affine_map<(d0, d1) -> (0, 0)>
module attributes {stable_mosaic.version = 14 : i64} {
  func.func @_sc_body(%arg0: i32, %arg1: i32, %arg2: memref<18432xi32, #tpu.memory_space<hbm>>, %arg3: memref<18432x64xf32, #tpu.memory_space<hbm>>, %arg4: memref<8192x64xf32, #tpu.memory_space<hbm>>, %arg5: memref<18432x64xf32, #tpu.memory_space<hbm>>, %arg6: memref<2x8192xf32, #tpu.memory_space<hbm>>, %arg7: memref<32x16xf32, #tpu.memory_space<hbm>>, %arg8: memref<6x96xi32, #tpu.memory_space<vmem>>, %arg9: memref<576x64xf32, #tpu.memory_space<vmem>>, %arg10: memref<576x64xf32, #tpu.memory_space<vmem>>, %arg11: memref<96xf32, #tpu.memory_space<vmem>>, %arg12: memref<16xf32, #tpu.memory_space<vmem>>, %arg13: memref<8192xf32, #tpu.memory_space<vmem>>, %arg14: memref<8192xf32, #tpu.memory_space<vmem_shared>>, %arg15: memref<!tpu.dma_semaphore, #tpu.memory_space<semaphore_mem>>, %arg16: memref<!tpu.dma_semaphore, #tpu.memory_space<semaphore_mem>>, %arg17: memref<!tpu.dma_semaphore, #tpu.memory_space<semaphore_mem>>) attributes {dimension_semantics = [#tpu.dimension_semantics<core_parallel>, #tpu.dimension_semantics<subcore_parallel>], iteration_bounds = array<i64: 2, 16>, scalar_prefetch = 0 : i64, scratch_operands = 10 : i64, tpu.core_type = #tpu.core_type<sc_vector_subcore>, window_params = [{transform_indices = #map}, {transform_indices = #map1}, {transform_indices = #map1}, {transform_indices = #map1}, {transform_indices = #map1}, {transform_indices = #map1}]} {
    %mul3A = arith.constant 2 : i32
    %mul3A_0 = arith.muli %arg1, %mul3A : i32
    %add3A = arith.addi %mul3A_0, %arg0 : i32
    %mul3A_1 = arith.constant 576 : i32
    %mul3A_2 = arith.muli %add3A, %mul3A_1 : i32
    %add3A_3 = arith.constant 0 : i32
    %add3A_4 = arith.addi %mul3A_2, %add3A_3 : i32
    %run_scoped3A = arith.constant 0 : i32
    "tpu.region"() ({
      %run_scoped3A_270 = tpu.sem_alloc : memref<!tpu.dma_semaphore, #tpu.memory_space<semaphore_mem>>
      %dma_start3A_271 = arith.constant 0 : i32
      %dma_start3A_272 = tpu.memref_slice %arg8[%run_scoped3A, %dma_start3A_271] : memref<6x96xi32, #tpu.memory_space<vmem>> -> memref<1x96xi32, #tpu.memory_space<vmem>>
      %dma_start3A_273 = tpu.memref_squeeze %dma_start3A_272 : memref<1x96xi32, #tpu.memory_space<vmem>> -> memref<96xi32, #tpu.memory_space<vmem>>
      %dma_start3A_274 = tpu.memref_slice %arg2[%add3A_4] : memref<18432xi32, #tpu.memory_space<hbm>> -> memref<96xi32, #tpu.memory_space<hbm>>
      %dma_start3A_275 = arith.constant 0 : i32
      %dma_start3A_276 = tpu.memref_slice %arg8[%run_scoped3A, %dma_start3A_275] : memref<6x96xi32, #tpu.memory_space<vmem>> -> memref<1x96xi32, #tpu.memory_space<vmem>>
      %dma_start3A_277 = tpu.memref_squeeze %dma_start3A_276 : memref<1x96xi32, #tpu.memory_space<vmem>> -> memref<96xi32, #tpu.memory_space<vmem>>
      %dma_start3A_278 = tpu.memref_slice %arg2[%add3A_4] : memref<18432xi32, #tpu.memory_space<hbm>> -> memref<96xi32, #tpu.memory_space<hbm>>
      tpu.enqueue_dma source(%dma_start3A_278 : memref<96xi32, #tpu.memory_space<hbm>>) target(%dma_start3A_277 : memref<96xi32, #tpu.memory_space<vmem>>) target_semaphore(%run_scoped3A_270 : memref<!tpu.dma_semaphore, #tpu.memory_space<semaphore_mem>>)
      %dma_wait3A_279 = arith.constant 0 : i32
      %dma_wait3A_280 = tpu.memref_slice %arg8[%run_scoped3A, %dma_wait3A_279] : memref<6x96xi32, #tpu.memory_space<vmem>> -> memref<1x96xi32, #tpu.memory_space<vmem>>
      %dma_wait3A_281 = tpu.memref_squeeze %dma_wait3A_280 : memref<1x96xi32, #tpu.memory_space<vmem>> -> memref<96xi32, #tpu.memory_space<vmem>>
      %dma_wait3A_282 = tpu.memref_slice %arg2[%add3A_4] : memref<18432xi32, #tpu.memory_space<hbm>> -> memref<96xi32, #tpu.memory_space<hbm>>
      %dma_wait3A_283 = arith.constant 0 : i32
      %dma_wait3A_284 = tpu.memref_slice %arg8[%run_scoped3A, %dma_wait3A_283] : memref<6x96xi32, #tpu.memory_space<vmem>> -> memref<1x96xi32, #tpu.memory_space<vmem>>
      %dma_wait3A_285 = tpu.memref_squeeze %dma_wait3A_284 : memref<1x96xi32, #tpu.memory_space<vmem>> -> memref<96xi32, #tpu.memory_space<vmem>>
      %dma_wait3A_286 = tpu.memref_slice %arg2[%add3A_4] : memref<18432xi32, #tpu.memory_space<hbm>> -> memref<96xi32, #tpu.memory_space<hbm>>
      tpu.wait_dma2 semaphore(%run_scoped3A_270 : memref<!tpu.dma_semaphore, #tpu.memory_space<semaphore_mem>>) src(%dma_wait3A_286 : memref<96xi32, #tpu.memory_space<hbm>>) dst(%dma_wait3A_285 : memref<96xi32, #tpu.memory_space<vmem>>)
      tpu.yield
    }) : () -> ()
    %add3A_5 = arith.constant 96 : i32
    %add3A_6 = arith.addi %mul3A_2, %add3A_5 : i32
    %run_scoped3A_7 = arith.constant 1 : i32
    "tpu.region"() ({
      %run_scoped3A_270 = tpu.sem_alloc : memref<!tpu.dma_semaphore, #tpu.memory_space<semaphore_mem>>
      %dma_start3A_271 = arith.constant 0 : i32
      %dma_start3A_272 = tpu.memref_slice %arg8[%run_scoped3A_7, %dma_start3A_271] : memref<6x96xi32, #tpu.memory_space<vmem>> -> memref<1x96xi32, #tpu.memory_space<vmem>>
      %dma_start3A_273 = tpu.memref_squeeze %dma_start3A_272 : memref<1x96xi32, #tpu.memory_space<vmem>> -> memref<96xi32, #tpu.memory_space<vmem>>
      %dma_start3A_274 = tpu.memref_slice %arg2[%add3A_6] : memref<18432xi32, #tpu.memory_space<hbm>> -> memref<96xi32, #tpu.memory_space<hbm>>
      %dma_start3A_275 = arith.constant 0 : i32
      %dma_start3A_276 = tpu.memref_slice %arg8[%run_scoped3A_7, %dma_start3A_275] : memref<6x96xi32, #tpu.memory_space<vmem>> -> memref<1x96xi32, #tpu.memory_space<vmem>>
      %dma_start3A_277 = tpu.memref_squeeze %dma_start3A_276 : memref<1x96xi32, #tpu.memory_space<vmem>> -> memref<96xi32, #tpu.memory_space<vmem>>
      %dma_start3A_278 = tpu.memref_slice %arg2[%add3A_6] : memref<18432xi32, #tpu.memory_space<hbm>> -> memref<96xi32, #tpu.memory_space<hbm>>
      tpu.enqueue_dma source(%dma_start3A_278 : memref<96xi32, #tpu.memory_space<hbm>>) target(%dma_start3A_277 : memref<96xi32, #tpu.memory_space<vmem>>) target_semaphore(%run_scoped3A_270 : memref<!tpu.dma_semaphore, #tpu.memory_space<semaphore_mem>>)
      %dma_wait3A_279 = arith.constant 0 : i32
      %dma_wait3A_280 = tpu.memref_slice %arg8[%run_scoped3A_7, %dma_wait3A_279] : memref<6x96xi32, #tpu.memory_space<vmem>> -> memref<1x96xi32, #tpu.memory_space<vmem>>
      %dma_wait3A_281 = tpu.memref_squeeze %dma_wait3A_280 : memref<1x96xi32, #tpu.memory_space<vmem>> -> memref<96xi32, #tpu.memory_space<vmem>>
      %dma_wait3A_282 = tpu.memref_slice %arg2[%add3A_6] : memref<18432xi32, #tpu.memory_space<hbm>> -> memref<96xi32, #tpu.memory_space<hbm>>
      %dma_wait3A_283 = arith.constant 0 : i32
      %dma_wait3A_284 = tpu.memref_slice %arg8[%run_scoped3A_7, %dma_wait3A_283] : memref<6x96xi32, #tpu.memory_space<vmem>> -> memref<1x96xi32, #tpu.memory_space<vmem>>
      %dma_wait3A_285 = tpu.memref_squeeze %dma_wait3A_284 : memref<1x96xi32, #tpu.memory_space<vmem>> -> memref<96xi32, #tpu.memory_space<vmem>>
      %dma_wait3A_286 = tpu.memref_slice %arg2[%add3A_6] : memref<18432xi32, #tpu.memory_space<hbm>> -> memref<96xi32, #tpu.memory_space<hbm>>
      tpu.wait_dma2 semaphore(%run_scoped3A_270 : memref<!tpu.dma_semaphore, #tpu.memory_space<semaphore_mem>>) src(%dma_wait3A_286 : memref<96xi32, #tpu.memory_space<hbm>>) dst(%dma_wait3A_285 : memref<96xi32, #tpu.memory_space<vmem>>)
      tpu.yield
    }) : () -> ()
    %add3A_8 = arith.constant 192 : i32
    %add3A_9 = arith.addi %mul3A_2, %add3A_8 : i32
    %run_scoped3A_10 = arith.constant 2 : i32
    "tpu.region"() ({
      %run_scoped3A_270 = tpu.sem_alloc : memref<!tpu.dma_semaphore, #tpu.memory_space<semaphore_mem>>
      %dma_start3A_271 = arith.constant 0 : i32
      %dma_start3A_272 = tpu.memref_slice %arg8[%run_scoped3A_10, %dma_start3A_271] : memref<6x96xi32, #tpu.memory_space<vmem>> -> memref<1x96xi32, #tpu.memory_space<vmem>>
      %dma_start3A_273 = tpu.memref_squeeze %dma_start3A_272 : memref<1x96xi32, #tpu.memory_space<vmem>> -> memref<96xi32, #tpu.memory_space<vmem>>
      %dma_start3A_274 = tpu.memref_slice %arg2[%add3A_9] : memref<18432xi32, #tpu.memory_space<hbm>> -> memref<96xi32, #tpu.memory_space<hbm>>
      %dma_start3A_275 = arith.constant 0 : i32
      %dma_start3A_276 = tpu.memref_slice %arg8[%run_scoped3A_10, %dma_start3A_275] : memref<6x96xi32, #tpu.memory_space<vmem>> -> memref<1x96xi32, #tpu.memory_space<vmem>>
      %dma_start3A_277 = tpu.memref_squeeze %dma_start3A_276 : memref<1x96xi32, #tpu.memory_space<vmem>> -> memref<96xi32, #tpu.memory_space<vmem>>
      %dma_start3A_278 = tpu.memref_slice %arg2[%add3A_9] : memref<18432xi32, #tpu.memory_space<hbm>> -> memref<96xi32, #tpu.memory_space<hbm>>
      tpu.enqueue_dma source(%dma_start3A_278 : memref<96xi32, #tpu.memory_space<hbm>>) target(%dma_start3A_277 : memref<96xi32, #tpu.memory_space<vmem>>) target_semaphore(%run_scoped3A_270 : memref<!tpu.dma_semaphore, #tpu.memory_space<semaphore_mem>>)
      %dma_wait3A_279 = arith.constant 0 : i32
      %dma_wait3A_280 = tpu.memref_slice %arg8[%run_scoped3A_10, %dma_wait3A_279] : memref<6x96xi32, #tpu.memory_space<vmem>> -> memref<1x96xi32, #tpu.memory_space<vmem>>
      %dma_wait3A_281 = tpu.memref_squeeze %dma_wait3A_280 : memref<1x96xi32, #tpu.memory_space<vmem>> -> memref<96xi32, #tpu.memory_space<vmem>>
      %dma_wait3A_282 = tpu.memref_slice %arg2[%add3A_9] : memref<18432xi32, #tpu.memory_space<hbm>> -> memref<96xi32, #tpu.memory_space<hbm>>
      %dma_wait3A_283 = arith.constant 0 : i32
      %dma_wait3A_284 = tpu.memref_slice %arg8[%run_scoped3A_10, %dma_wait3A_283] : memref<6x96xi32, #tpu.memory_space<vmem>> -> memref<1x96xi32, #tpu.memory_space<vmem>>
      %dma_wait3A_285 = tpu.memref_squeeze %dma_wait3A_284 : memref<1x96xi32, #tpu.memory_space<vmem>> -> memref<96xi32, #tpu.memory_space<vmem>>
      %dma_wait3A_286 = tpu.memref_slice %arg2[%add3A_9] : memref<18432xi32, #tpu.memory_space<hbm>> -> memref<96xi32, #tpu.memory_space<hbm>>
      tpu.wait_dma2 semaphore(%run_scoped3A_270 : memref<!tpu.dma_semaphore, #tpu.memory_space<semaphore_mem>>) src(%dma_wait3A_286 : memref<96xi32, #tpu.memory_space<hbm>>) dst(%dma_wait3A_285 : memref<96xi32, #tpu.memory_space<vmem>>)
      tpu.yield
    }) : () -> ()
    %add3A_11 = arith.constant 288 : i32
    %add3A_12 = arith.addi %mul3A_2, %add3A_11 : i32
    %run_scoped3A_13 = arith.constant 3 : i32
    "tpu.region"() ({
      %run_scoped3A_270 = tpu.sem_alloc : memref<!tpu.dma_semaphore, #tpu.memory_space<semaphore_mem>>
      %dma_start3A_271 = arith.constant 0 : i32
      %dma_start3A_272 = tpu.memref_slice %arg8[%run_scoped3A_13, %dma_start3A_271] : memref<6x96xi32, #tpu.memory_space<vmem>> -> memref<1x96xi32, #tpu.memory_space<vmem>>
      %dma_start3A_273 = tpu.memref_squeeze %dma_start3A_272 : memref<1x96xi32, #tpu.memory_space<vmem>> -> memref<96xi32, #tpu.memory_space<vmem>>
      %dma_start3A_274 = tpu.memref_slice %arg2[%add3A_12] : memref<18432xi32, #tpu.memory_space<hbm>> -> memref<96xi32, #tpu.memory_space<hbm>>
      %dma_start3A_275 = arith.constant 0 : i32
      %dma_start3A_276 = tpu.memref_slice %arg8[%run_scoped3A_13, %dma_start3A_275] : memref<6x96xi32, #tpu.memory_space<vmem>> -> memref<1x96xi32, #tpu.memory_space<vmem>>
      %dma_start3A_277 = tpu.memref_squeeze %dma_start3A_276 : memref<1x96xi32, #tpu.memory_space<vmem>> -> memref<96xi32, #tpu.memory_space<vmem>>
      %dma_start3A_278 = tpu.memref_slice %arg2[%add3A_12] : memref<18432xi32, #tpu.memory_space<hbm>> -> memref<96xi32, #tpu.memory_space<hbm>>
      tpu.enqueue_dma source(%dma_start3A_278 : memref<96xi32, #tpu.memory_space<hbm>>) target(%dma_start3A_277 : memref<96xi32, #tpu.memory_space<vmem>>) target_semaphore(%run_scoped3A_270 : memref<!tpu.dma_semaphore, #tpu.memory_space<semaphore_mem>>)
      %dma_wait3A_279 = arith.constant 0 : i32
      %dma_wait3A_280 = tpu.memref_slice %arg8[%run_scoped3A_13, %dma_wait3A_279] : memref<6x96xi32, #tpu.memory_space<vmem>> -> memref<1x96xi32, #tpu.memory_space<vmem>>
      %dma_wait3A_281 = tpu.memref_squeeze %dma_wait3A_280 : memref<1x96xi32, #tpu.memory_space<vmem>> -> memref<96xi32, #tpu.memory_space<vmem>>
      %dma_wait3A_282 = tpu.memref_slice %arg2[%add3A_12] : memref<18432xi32, #tpu.memory_space<hbm>> -> memref<96xi32, #tpu.memory_space<hbm>>
      %dma_wait3A_283 = arith.constant 0 : i32
      %dma_wait3A_284 = tpu.memref_slice %arg8[%run_scoped3A_13, %dma_wait3A_283] : memref<6x96xi32, #tpu.memory_space<vmem>> -> memref<1x96xi32, #tpu.memory_space<vmem>>
      %dma_wait3A_285 = tpu.memref_squeeze %dma_wait3A_284 : memref<1x96xi32, #tpu.memory_space<vmem>> -> memref<96xi32, #tpu.memory_space<vmem>>
      %dma_wait3A_286 = tpu.memref_slice %arg2[%add3A_12] : memref<18432xi32, #tpu.memory_space<hbm>> -> memref<96xi32, #tpu.memory_space<hbm>>
      tpu.wait_dma2 semaphore(%run_scoped3A_270 : memref<!tpu.dma_semaphore, #tpu.memory_space<semaphore_mem>>) src(%dma_wait3A_286 : memref<96xi32, #tpu.memory_space<hbm>>) dst(%dma_wait3A_285 : memref<96xi32, #tpu.memory_space<vmem>>)
      tpu.yield
    }) : () -> ()
    %add3A_14 = arith.constant 384 : i32
    %add3A_15 = arith.addi %mul3A_2, %add3A_14 : i32
    %run_scoped3A_16 = arith.constant 4 : i32
    "tpu.region"() ({
      %run_scoped3A_270 = tpu.sem_alloc : memref<!tpu.dma_semaphore, #tpu.memory_space<semaphore_mem>>
      %dma_start3A_271 = arith.constant 0 : i32
      %dma_start3A_272 = tpu.memref_slice %arg8[%run_scoped3A_16, %dma_start3A_271] : memref<6x96xi32, #tpu.memory_space<vmem>> -> memref<1x96xi32, #tpu.memory_space<vmem>>
      %dma_start3A_273 = tpu.memref_squeeze %dma_start3A_272 : memref<1x96xi32, #tpu.memory_space<vmem>> -> memref<96xi32, #tpu.memory_space<vmem>>
      %dma_start3A_274 = tpu.memref_slice %arg2[%add3A_15] : memref<18432xi32, #tpu.memory_space<hbm>> -> memref<96xi32, #tpu.memory_space<hbm>>
      %dma_start3A_275 = arith.constant 0 : i32
      %dma_start3A_276 = tpu.memref_slice %arg8[%run_scoped3A_16, %dma_start3A_275] : memref<6x96xi32, #tpu.memory_space<vmem>> -> memref<1x96xi32, #tpu.memory_space<vmem>>
      %dma_start3A_277 = tpu.memref_squeeze %dma_start3A_276 : memref<1x96xi32, #tpu.memory_space<vmem>> -> memref<96xi32, #tpu.memory_space<vmem>>
      %dma_start3A_278 = tpu.memref_slice %arg2[%add3A_15] : memref<18432xi32, #tpu.memory_space<hbm>> -> memref<96xi32, #tpu.memory_space<hbm>>
      tpu.enqueue_dma source(%dma_start3A_278 : memref<96xi32, #tpu.memory_space<hbm>>) target(%dma_start3A_277 : memref<96xi32, #tpu.memory_space<vmem>>) target_semaphore(%run_scoped3A_270 : memref<!tpu.dma_semaphore, #tpu.memory_space<semaphore_mem>>)
      %dma_wait3A_279 = arith.constant 0 : i32
      %dma_wait3A_280 = tpu.memref_slice %arg8[%run_scoped3A_16, %dma_wait3A_279] : memref<6x96xi32, #tpu.memory_space<vmem>> -> memref<1x96xi32, #tpu.memory_space<vmem>>
      %dma_wait3A_281 = tpu.memref_squeeze %dma_wait3A_280 : memref<1x96xi32, #tpu.memory_space<vmem>> -> memref<96xi32, #tpu.memory_space<vmem>>
      %dma_wait3A_282 = tpu.memref_slice %arg2[%add3A_15] : memref<18432xi32, #tpu.memory_space<hbm>> -> memref<96xi32, #tpu.memory_space<hbm>>
      %dma_wait3A_283 = arith.constant 0 : i32
      %dma_wait3A_284 = tpu.memref_slice %arg8[%run_scoped3A_16, %dma_wait3A_283] : memref<6x96xi32, #tpu.memory_space<vmem>> -> memref<1x96xi32, #tpu.memory_space<vmem>>
      %dma_wait3A_285 = tpu.memref_squeeze %dma_wait3A_284 : memref<1x96xi32, #tpu.memory_space<vmem>> -> memref<96xi32, #tpu.memory_space<vmem>>
      %dma_wait3A_286 = tpu.memref_slice %arg2[%add3A_15] : memref<18432xi32, #tpu.memory_space<hbm>> -> memref<96xi32, #tpu.memory_space<hbm>>
      tpu.wait_dma2 semaphore(%run_scoped3A_270 : memref<!tpu.dma_semaphore, #tpu.memory_space<semaphore_mem>>) src(%dma_wait3A_286 : memref<96xi32, #tpu.memory_space<hbm>>) dst(%dma_wait3A_285 : memref<96xi32, #tpu.memory_space<vmem>>)
      tpu.yield
    }) : () -> ()
    %add3A_17 = arith.constant 480 : i32
    %add3A_18 = arith.addi %mul3A_2, %add3A_17 : i32
    %run_scoped3A_19 = arith.constant 5 : i32
    "tpu.region"() ({
      %run_scoped3A_270 = tpu.sem_alloc : memref<!tpu.dma_semaphore, #tpu.memory_space<semaphore_mem>>
      %dma_start3A_271 = arith.constant 0 : i32
      %dma_start3A_272 = tpu.memref_slice %arg8[%run_scoped3A_19, %dma_start3A_271] : memref<6x96xi32, #tpu.memory_space<vmem>> -> memref<1x96xi32, #tpu.memory_space<vmem>>
      %dma_start3A_273 = tpu.memref_squeeze %dma_start3A_272 : memref<1x96xi32, #tpu.memory_space<vmem>> -> memref<96xi32, #tpu.memory_space<vmem>>
      %dma_start3A_274 = tpu.memref_slice %arg2[%add3A_18] : memref<18432xi32, #tpu.memory_space<hbm>> -> memref<96xi32, #tpu.memory_space<hbm>>
      %dma_start3A_275 = arith.constant 0 : i32
      %dma_start3A_276 = tpu.memref_slice %arg8[%run_scoped3A_19, %dma_start3A_275] : memref<6x96xi32, #tpu.memory_space<vmem>> -> memref<1x96xi32, #tpu.memory_space<vmem>>
      %dma_start3A_277 = tpu.memref_squeeze %dma_start3A_276 : memref<1x96xi32, #tpu.memory_space<vmem>> -> memref<96xi32, #tpu.memory_space<vmem>>
      %dma_start3A_278 = tpu.memref_slice %arg2[%add3A_18] : memref<18432xi32, #tpu.memory_space<hbm>> -> memref<96xi32, #tpu.memory_space<hbm>>
      tpu.enqueue_dma source(%dma_start3A_278 : memref<96xi32, #tpu.memory_space<hbm>>) target(%dma_start3A_277 : memref<96xi32, #tpu.memory_space<vmem>>) target_semaphore(%run_scoped3A_270 : memref<!tpu.dma_semaphore, #tpu.memory_space<semaphore_mem>>)
      %dma_wait3A_279 = arith.constant 0 : i32
      %dma_wait3A_280 = tpu.memref_slice %arg8[%run_scoped3A_19, %dma_wait3A_279] : memref<6x96xi32, #tpu.memory_space<vmem>> -> memref<1x96xi32, #tpu.memory_space<vmem>>
      %dma_wait3A_281 = tpu.memref_squeeze %dma_wait3A_280 : memref<1x96xi32, #tpu.memory_space<vmem>> -> memref<96xi32, #tpu.memory_space<vmem>>
      %dma_wait3A_282 = tpu.memref_slice %arg2[%add3A_18] : memref<18432xi32, #tpu.memory_space<hbm>> -> memref<96xi32, #tpu.memory_space<hbm>>
      %dma_wait3A_283 = arith.constant 0 : i32
      %dma_wait3A_284 = tpu.memref_slice %arg8[%run_scoped3A_19, %dma_wait3A_283] : memref<6x96xi32, #tpu.memory_space<vmem>> -> memref<1x96xi32, #tpu.memory_space<vmem>>
      %dma_wait3A_285 = tpu.memref_squeeze %dma_wait3A_284 : memref<1x96xi32, #tpu.memory_space<vmem>> -> memref<96xi32, #tpu.memory_space<vmem>>
      %dma_wait3A_286 = tpu.memref_slice %arg2[%add3A_18] : memref<18432xi32, #tpu.memory_space<hbm>> -> memref<96xi32, #tpu.memory_space<hbm>>
      tpu.wait_dma2 semaphore(%run_scoped3A_270 : memref<!tpu.dma_semaphore, #tpu.memory_space<semaphore_mem>>) src(%dma_wait3A_286 : memref<96xi32, #tpu.memory_space<hbm>>) dst(%dma_wait3A_285 : memref<96xi32, #tpu.memory_space<vmem>>)
      tpu.yield
    }) : () -> ()
    %dma_start3A = arith.constant 0 : i32
    %dma_start3A_20 = arith.constant 0 : i32
    %dma_start3A_21 = arith.constant 0 : i32
    %dma_start3A_22 = tpu.memref_slice %arg9[%dma_start3A_20, %dma_start3A_21] : memref<576x64xf32, #tpu.memory_space<vmem>> -> memref<96x64xf32, #tpu.memory_space<vmem>>
    %dma_start3A_23 = arith.constant 0 : i32
    %dma_start3A_24 = tpu.memref_slice %arg8[%dma_start3A, %dma_start3A_23] : memref<6x96xi32, #tpu.memory_space<vmem>> -> memref<1x96xi32, #tpu.memory_space<vmem>>
    %dma_start3A_25 = tpu.memref_squeeze %dma_start3A_24 : memref<1x96xi32, #tpu.memory_space<vmem>> -> memref<96xi32, #tpu.memory_space<vmem>>
    %dma_start3A_26 = arith.constant 0 : i32
    %dma_start3A_27 = arith.constant 0 : i32
    %dma_start3A_28 = tpu.memref_slice %arg4[%dma_start3A_26, %dma_start3A_27] : memref<8192x64xf32, #tpu.memory_space<hbm>> -> memref<8192x64xf32, #tpu.memory_space<hbm>>
    tpu.enqueue_indirect_dma source(%dma_start3A_28 : memref<8192x64xf32, #tpu.memory_space<hbm>>) target(%dma_start3A_22 : memref<96x64xf32, #tpu.memory_space<vmem>>) offsets(%dma_start3A_25 : memref<96xi32, #tpu.memory_space<vmem>>) semaphore(%arg15 : memref<!tpu.dma_semaphore, #tpu.memory_space<semaphore_mem>>)
    %dma_start3A_29 = arith.constant 1 : i32
    %dma_start3A_30 = arith.constant 96 : i32
    %dma_start3A_31 = arith.constant 0 : i32
    %dma_start3A_32 = tpu.memref_slice %arg9[%dma_start3A_30, %dma_start3A_31] : memref<576x64xf32, #tpu.memory_space<vmem>> -> memref<96x64xf32, #tpu.memory_space<vmem>>
    %dma_start3A_33 = arith.constant 0 : i32
    %dma_start3A_34 = tpu.memref_slice %arg8[%dma_start3A_29, %dma_start3A_33] : memref<6x96xi32, #tpu.memory_space<vmem>> -> memref<1x96xi32, #tpu.memory_space<vmem>>
    %dma_start3A_35 = tpu.memref_squeeze %dma_start3A_34 : memref<1x96xi32, #tpu.memory_space<vmem>> -> memref<96xi32, #tpu.memory_space<vmem>>
    %dma_start3A_36 = arith.constant 0 : i32
    %dma_start3A_37 = arith.constant 0 : i32
    %dma_start3A_38 = tpu.memref_slice %arg4[%dma_start3A_36, %dma_start3A_37] : memref<8192x64xf32, #tpu.memory_space<hbm>> -> memref<8192x64xf32, #tpu.memory_space<hbm>>
    tpu.enqueue_indirect_dma source(%dma_start3A_38 : memref<8192x64xf32, #tpu.memory_space<hbm>>) target(%dma_start3A_32 : memref<96x64xf32, #tpu.memory_space<vmem>>) offsets(%dma_start3A_35 : memref<96xi32, #tpu.memory_space<vmem>>) semaphore(%arg15 : memref<!tpu.dma_semaphore, #tpu.memory_space<semaphore_mem>>)
    %dma_start3A_39 = arith.constant 2 : i32
    %dma_start3A_40 = arith.constant 192 : i32
    %dma_start3A_41 = arith.constant 0 : i32
    %dma_start3A_42 = tpu.memref_slice %arg9[%dma_start3A_40, %dma_start3A_41] : memref<576x64xf32, #tpu.memory_space<vmem>> -> memref<96x64xf32, #tpu.memory_space<vmem>>
    %dma_start3A_43 = arith.constant 0 : i32
    %dma_start3A_44 = tpu.memref_slice %arg8[%dma_start3A_39, %dma_start3A_43] : memref<6x96xi32, #tpu.memory_space<vmem>> -> memref<1x96xi32, #tpu.memory_space<vmem>>
    %dma_start3A_45 = tpu.memref_squeeze %dma_start3A_44 : memref<1x96xi32, #tpu.memory_space<vmem>> -> memref<96xi32, #tpu.memory_space<vmem>>
    %dma_start3A_46 = arith.constant 0 : i32
    %dma_start3A_47 = arith.constant 0 : i32
    %dma_start3A_48 = tpu.memref_slice %arg4[%dma_start3A_46, %dma_start3A_47] : memref<8192x64xf32, #tpu.memory_space<hbm>> -> memref<8192x64xf32, #tpu.memory_space<hbm>>
    tpu.enqueue_indirect_dma source(%dma_start3A_48 : memref<8192x64xf32, #tpu.memory_space<hbm>>) target(%dma_start3A_42 : memref<96x64xf32, #tpu.memory_space<vmem>>) offsets(%dma_start3A_45 : memref<96xi32, #tpu.memory_space<vmem>>) semaphore(%arg15 : memref<!tpu.dma_semaphore, #tpu.memory_space<semaphore_mem>>)
    %dma_start3A_49 = arith.constant 3 : i32
    %dma_start3A_50 = arith.constant 288 : i32
    %dma_start3A_51 = arith.constant 0 : i32
    %dma_start3A_52 = tpu.memref_slice %arg9[%dma_start3A_50, %dma_start3A_51] : memref<576x64xf32, #tpu.memory_space<vmem>> -> memref<96x64xf32, #tpu.memory_space<vmem>>
    %dma_start3A_53 = arith.constant 0 : i32
    %dma_start3A_54 = tpu.memref_slice %arg8[%dma_start3A_49, %dma_start3A_53] : memref<6x96xi32, #tpu.memory_space<vmem>> -> memref<1x96xi32, #tpu.memory_space<vmem>>
    %dma_start3A_55 = tpu.memref_squeeze %dma_start3A_54 : memref<1x96xi32, #tpu.memory_space<vmem>> -> memref<96xi32, #tpu.memory_space<vmem>>
    %dma_start3A_56 = arith.constant 0 : i32
    %dma_start3A_57 = arith.constant 0 : i32
    %dma_start3A_58 = tpu.memref_slice %arg4[%dma_start3A_56, %dma_start3A_57] : memref<8192x64xf32, #tpu.memory_space<hbm>> -> memref<8192x64xf32, #tpu.memory_space<hbm>>
    tpu.enqueue_indirect_dma source(%dma_start3A_58 : memref<8192x64xf32, #tpu.memory_space<hbm>>) target(%dma_start3A_52 : memref<96x64xf32, #tpu.memory_space<vmem>>) offsets(%dma_start3A_55 : memref<96xi32, #tpu.memory_space<vmem>>) semaphore(%arg15 : memref<!tpu.dma_semaphore, #tpu.memory_space<semaphore_mem>>)
    %dma_start3A_59 = arith.constant 4 : i32
    %dma_start3A_60 = arith.constant 384 : i32
    %dma_start3A_61 = arith.constant 0 : i32
    %dma_start3A_62 = tpu.memref_slice %arg9[%dma_start3A_60, %dma_start3A_61] : memref<576x64xf32, #tpu.memory_space<vmem>> -> memref<96x64xf32, #tpu.memory_space<vmem>>
    %dma_start3A_63 = arith.constant 0 : i32
    %dma_start3A_64 = tpu.memref_slice %arg8[%dma_start3A_59, %dma_start3A_63] : memref<6x96xi32, #tpu.memory_space<vmem>> -> memref<1x96xi32, #tpu.memory_space<vmem>>
    %dma_start3A_65 = tpu.memref_squeeze %dma_start3A_64 : memref<1x96xi32, #tpu.memory_space<vmem>> -> memref<96xi32, #tpu.memory_space<vmem>>
    %dma_start3A_66 = arith.constant 0 : i32
    %dma_start3A_67 = arith.constant 0 : i32
    %dma_start3A_68 = tpu.memref_slice %arg4[%dma_start3A_66, %dma_start3A_67] : memref<8192x64xf32, #tpu.memory_space<hbm>> -> memref<8192x64xf32, #tpu.memory_space<hbm>>
    tpu.enqueue_indirect_dma source(%dma_start3A_68 : memref<8192x64xf32, #tpu.memory_space<hbm>>) target(%dma_start3A_62 : memref<96x64xf32, #tpu.memory_space<vmem>>) offsets(%dma_start3A_65 : memref<96xi32, #tpu.memory_space<vmem>>) semaphore(%arg15 : memref<!tpu.dma_semaphore, #tpu.memory_space<semaphore_mem>>)
    %dma_start3A_69 = arith.constant 5 : i32
    %dma_start3A_70 = arith.constant 480 : i32
    %dma_start3A_71 = arith.constant 0 : i32
    %dma_start3A_72 = tpu.memref_slice %arg9[%dma_start3A_70, %dma_start3A_71] : memref<576x64xf32, #tpu.memory_space<vmem>> -> memref<96x64xf32, #tpu.memory_space<vmem>>
    %dma_start3A_73 = arith.constant 0 : i32
    %dma_start3A_74 = tpu.memref_slice %arg8[%dma_start3A_69, %dma_start3A_73] : memref<6x96xi32, #tpu.memory_space<vmem>> -> memref<1x96xi32, #tpu.memory_space<vmem>>
    %dma_start3A_75 = tpu.memref_squeeze %dma_start3A_74 : memref<1x96xi32, #tpu.memory_space<vmem>> -> memref<96xi32, #tpu.memory_space<vmem>>
    %dma_start3A_76 = arith.constant 0 : i32
    %dma_start3A_77 = arith.constant 0 : i32
    %dma_start3A_78 = tpu.memref_slice %arg4[%dma_start3A_76, %dma_start3A_77] : memref<8192x64xf32, #tpu.memory_space<hbm>> -> memref<8192x64xf32, #tpu.memory_space<hbm>>
    tpu.enqueue_indirect_dma source(%dma_start3A_78 : memref<8192x64xf32, #tpu.memory_space<hbm>>) target(%dma_start3A_72 : memref<96x64xf32, #tpu.memory_space<vmem>>) offsets(%dma_start3A_75 : memref<96xi32, #tpu.memory_space<vmem>>) semaphore(%arg15 : memref<!tpu.dma_semaphore, #tpu.memory_space<semaphore_mem>>)
    %dma_start3A_79 = arith.constant 0 : i32
    %dma_start3A_80 = tpu.memref_slice %arg3[%mul3A_2, %dma_start3A_79] : memref<18432x64xf32, #tpu.memory_space<hbm>> -> memref<576x64xf32, #tpu.memory_space<hbm>>
    %dma_start3A_81 = arith.constant 0 : i32
    %dma_start3A_82 = tpu.memref_slice %arg3[%mul3A_2, %dma_start3A_81] : memref<18432x64xf32, #tpu.memory_space<hbm>> -> memref<576x64xf32, #tpu.memory_space<hbm>>
    tpu.enqueue_dma source(%dma_start3A_82 : memref<576x64xf32, #tpu.memory_space<hbm>>) target(%arg10 : memref<576x64xf32, #tpu.memory_space<vmem>>) target_semaphore(%arg16 : memref<!tpu.dma_semaphore, #tpu.memory_space<semaphore_mem>>)
    %broadcast_in_dim3A = arith.constant 1.000000e+00 : f32
    %broadcast_in_dim3A_83 = vector.broadcast %broadcast_in_dim3A : f32 to vector<16xf32>
    %broadcast_in_dim3A_84 = arith.constant 0.000000e+00 : f32
    %broadcast_in_dim3A_85 = vector.broadcast %broadcast_in_dim3A_84 : f32 to vector<16xf32>
    %swap3A = arith.constant 0 : index
    %swap3A_86 = tpu.vector_load %arg11[%swap3A] {strides = array<i32>} : memref<96xf32, #tpu.memory_space<vmem>>, vector<16xf32>,
    %swap3A_87 = vector.shape_cast %swap3A_86 : vector<16xf32> to vector<16xf32>
    %swap3A_88 = vector.shape_cast %broadcast_in_dim3A_83 : vector<16xf32> to vector<16xf32>
    tpu.vector_store %arg11[%swap3A], %swap3A_88 {strides = array<i32>} : memref<96xf32, #tpu.memory_space<vmem>>, vector<16xf32>,
    %swap3A_89 = arith.constant 16 : index
    %swap3A_90 = tpu.vector_load %arg11[%swap3A_89] {strides = array<i32>} : memref<96xf32, #tpu.memory_space<vmem>>, vector<16xf32>,
    %swap3A_91 = vector.shape_cast %swap3A_90 : vector<16xf32> to vector<16xf32>
    %swap3A_92 = vector.shape_cast %broadcast_in_dim3A_83 : vector<16xf32> to vector<16xf32>
    tpu.vector_store %arg11[%swap3A_89], %swap3A_92 {strides = array<i32>} : memref<96xf32, #tpu.memory_space<vmem>>, vector<16xf32>,
    %swap3A_93 = arith.constant 32 : index
    %swap3A_94 = tpu.vector_load %arg11[%swap3A_93] {strides = array<i32>} : memref<96xf32, #tpu.memory_space<vmem>>, vector<16xf32>,
    %swap3A_95 = vector.shape_cast %swap3A_94 : vector<16xf32> to vector<16xf32>
    %swap3A_96 = vector.shape_cast %broadcast_in_dim3A_83 : vector<16xf32> to vector<16xf32>
    tpu.vector_store %arg11[%swap3A_93], %swap3A_96 {strides = array<i32>} : memref<96xf32, #tpu.memory_space<vmem>>, vector<16xf32>,
    %swap3A_97 = arith.constant 48 : index
    %swap3A_98 = tpu.vector_load %arg11[%swap3A_97] {strides = array<i32>} : memref<96xf32, #tpu.memory_space<vmem>>, vector<16xf32>,
    %swap3A_99 = vector.shape_cast %swap3A_98 : vector<16xf32> to vector<16xf32>
    %swap3A_100 = vector.shape_cast %broadcast_in_dim3A_83 : vector<16xf32> to vector<16xf32>
    tpu.vector_store %arg11[%swap3A_97], %swap3A_100 {strides = array<i32>} : memref<96xf32, #tpu.memory_space<vmem>>, vector<16xf32>,
    %swap3A_101 = arith.constant 64 : index
    %swap3A_102 = tpu.vector_load %arg11[%swap3A_101] {strides = array<i32>} : memref<96xf32, #tpu.memory_space<vmem>>, vector<16xf32>,
    %swap3A_103 = vector.shape_cast %swap3A_102 : vector<16xf32> to vector<16xf32>
    %swap3A_104 = vector.shape_cast %broadcast_in_dim3A_83 : vector<16xf32> to vector<16xf32>
    tpu.vector_store %arg11[%swap3A_101], %swap3A_104 {strides = array<i32>} : memref<96xf32, #tpu.memory_space<vmem>>, vector<16xf32>,
    %swap3A_105 = arith.constant 80 : index
    %swap3A_106 = tpu.vector_load %arg11[%swap3A_105] {strides = array<i32>} : memref<96xf32, #tpu.memory_space<vmem>>, vector<16xf32>,
    %swap3A_107 = vector.shape_cast %swap3A_106 : vector<16xf32> to vector<16xf32>
    %swap3A_108 = vector.shape_cast %broadcast_in_dim3A_83 : vector<16xf32> to vector<16xf32>
    tpu.vector_store %arg11[%swap3A_105], %swap3A_108 {strides = array<i32>} : memref<96xf32, #tpu.memory_space<vmem>>, vector<16xf32>,
    %scan3A = arith.constant 0 : i32
    %scan3A_109 = arith.constant 0 : i32
    %scan3A_110 = arith.constant 512 : i32
    %scan3A_111 = arith.addi %scan3A_109, %scan3A_110 : i32
    %scan3A_112 = arith.constant 8 : i32
    %scan3A_113 = scf.for %scan3A_270 = %scan3A_109 to %scan3A_111 step %scan3A_112 iter_args(%scan3A_271 = %scan3A) -> (i32)  : i32 {
      %mul3A_272 = arith.constant 16 : i32
      %mul3A_273 = arith.muli %scan3A_270, %mul3A_272 : i32
      %swap3A_274 = arith.index_cast %mul3A_273 : i32 to index
      %swap3A_275 = tpu.vector_load %arg13[%swap3A_274] {strides = array<i32>} : memref<8192xf32, #tpu.memory_space<vmem>>, vector<16xf32>,
      %swap3A_276 = vector.shape_cast %swap3A_275 : vector<16xf32> to vector<16xf32>
      %swap3A_277 = vector.shape_cast %broadcast_in_dim3A_85 : vector<16xf32> to vector<16xf32>
      tpu.vector_store %arg13[%swap3A_274], %swap3A_277 {strides = array<i32>} : memref<8192xf32, #tpu.memory_space<vmem>>, vector<16xf32>,
      %scan3A_278 = arith.constant 0 : i32
      %scan3A_279 = arith.constant 1 : i32
      %scan3A_280 = arith.addi %scan3A_270, %scan3A_279 : i32
      %mul3A_281 = arith.constant 16 : i32
      %mul3A_282 = arith.muli %scan3A_280, %mul3A_281 : i32
      %swap3A_283 = arith.index_cast %mul3A_282 : i32 to index
      %swap3A_284 = tpu.vector_load %arg13[%swap3A_283] {strides = array<i32>} : memref<8192xf32, #tpu.memory_space<vmem>>, vector<16xf32>,
      %swap3A_285 = vector.shape_cast %swap3A_284 : vector<16xf32> to vector<16xf32>
      %swap3A_286 = vector.shape_cast %broadcast_in_dim3A_85 : vector<16xf32> to vector<16xf32>
      tpu.vector_store %arg13[%swap3A_283], %swap3A_286 {strides = array<i32>} : memref<8192xf32, #tpu.memory_space<vmem>>, vector<16xf32>,
      %scan3A_287 = arith.constant 0 : i32
      %scan3A_288 = arith.constant 2 : i32
      %scan3A_289 = arith.addi %scan3A_270, %scan3A_288 : i32
      %mul3A_290 = arith.constant 16 : i32
      %mul3A_291 = arith.muli %scan3A_289, %mul3A_290 : i32
      %swap3A_292 = arith.index_cast %mul3A_291 : i32 to index
      %swap3A_293 = tpu.vector_load %arg13[%swap3A_292] {strides = array<i32>} : memref<8192xf32, #tpu.memory_space<vmem>>, vector<16xf32>,
      %swap3A_294 = vector.shape_cast %swap3A_293 : vector<16xf32> to vector<16xf32>
      %swap3A_295 = vector.shape_cast %broadcast_in_dim3A_85 : vector<16xf32> to vector<16xf32>
      tpu.vector_store %arg13[%swap3A_292], %swap3A_295 {strides = array<i32>} : memref<8192xf32, #tpu.memory_space<vmem>>, vector<16xf32>,
      %scan3A_296 = arith.constant 0 : i32
      %scan3A_297 = arith.constant 3 : i32
      %scan3A_298 = arith.addi %scan3A_270, %scan3A_297 : i32
      %mul3A_299 = arith.constant 16 : i32
      %mul3A_300 = arith.muli %scan3A_298, %mul3A_299 : i32
      %swap3A_301 = arith.index_cast %mul3A_300 : i32 to index
      %swap3A_302 = tpu.vector_load %arg13[%swap3A_301] {strides = array<i32>} : memref<8192xf32, #tpu.memory_space<vmem>>, vector<16xf32>,
      %swap3A_303 = vector.shape_cast %swap3A_302 : vector<16xf32> to vector<16xf32>
      %swap3A_304 = vector.shape_cast %broadcast_in_dim3A_85 : vector<16xf32> to vector<16xf32>
      tpu.vector_store %arg13[%swap3A_301], %swap3A_304 {strides = array<i32>} : memref<8192xf32, #tpu.memory_space<vmem>>, vector<16xf32>,
      %scan3A_305 = arith.constant 0 : i32
      %scan3A_306 = arith.constant 4 : i32
      %scan3A_307 = arith.addi %scan3A_270, %scan3A_306 : i32
      %mul3A_308 = arith.constant 16 : i32
      %mul3A_309 = arith.muli %scan3A_307, %mul3A_308 : i32
      %swap3A_310 = arith.index_cast %mul3A_309 : i32 to index
      %swap3A_311 = tpu.vector_load %arg13[%swap3A_310] {strides = array<i32>} : memref<8192xf32, #tpu.memory_space<vmem>>, vector<16xf32>,
      %swap3A_312 = vector.shape_cast %swap3A_311 : vector<16xf32> to vector<16xf32>
      %swap3A_313 = vector.shape_cast %broadcast_in_dim3A_85 : vector<16xf32> to vector<16xf32>
      tpu.vector_store %arg13[%swap3A_310], %swap3A_313 {strides = array<i32>} : memref<8192xf32, #tpu.memory_space<vmem>>, vector<16xf32>,
      %scan3A_314 = arith.constant 0 : i32
      %scan3A_315 = arith.constant 5 : i32
      %scan3A_316 = arith.addi %scan3A_270, %scan3A_315 : i32
      %mul3A_317 = arith.constant 16 : i32
      %mul3A_318 = arith.muli %scan3A_316, %mul3A_317 : i32
      %swap3A_319 = arith.index_cast %mul3A_318 : i32 to index
      %swap3A_320 = tpu.vector_load %arg13[%swap3A_319] {strides = array<i32>} : memref<8192xf32, #tpu.memory_space<vmem>>, vector<16xf32>,
      %swap3A_321 = vector.shape_cast %swap3A_320 : vector<16xf32> to vector<16xf32>
      %swap3A_322 = vector.shape_cast %broadcast_in_dim3A_85 : vector<16xf32> to vector<16xf32>
      tpu.vector_store %arg13[%swap3A_319], %swap3A_322 {strides = array<i32>} : memref<8192xf32, #tpu.memory_space<vmem>>, vector<16xf32>,
      %scan3A_323 = arith.constant 0 : i32
      %scan3A_324 = arith.constant 6 : i32
      %scan3A_325 = arith.addi %scan3A_270, %scan3A_324 : i32
      %mul3A_326 = arith.constant 16 : i32
      %mul3A_327 = arith.muli %scan3A_325, %mul3A_326 : i32
      %swap3A_328 = arith.index_cast %mul3A_327 : i32 to index
      %swap3A_329 = tpu.vector_load %arg13[%swap3A_328] {strides = array<i32>} : memref<8192xf32, #tpu.memory_space<vmem>>, vector<16xf32>,
      %swap3A_330 = vector.shape_cast %swap3A_329 : vector<16xf32> to vector<16xf32>
      %swap3A_331 = vector.shape_cast %broadcast_in_dim3A_85 : vector<16xf32> to vector<16xf32>
      tpu.vector_store %arg13[%swap3A_328], %swap3A_331 {strides = array<i32>} : memref<8192xf32, #tpu.memory_space<vmem>>, vector<16xf32>,
      %scan3A_332 = arith.constant 0 : i32
      %scan3A_333 = arith.constant 7 : i32
      %scan3A_334 = arith.addi %scan3A_270, %scan3A_333 : i32
      %mul3A_335 = arith.constant 16 : i32
      %mul3A_336 = arith.muli %scan3A_334, %mul3A_335 : i32
      %swap3A_337 = arith.index_cast %mul3A_336 : i32 to index
      %swap3A_338 = tpu.vector_load %arg13[%swap3A_337] {strides = array<i32>} : memref<8192xf32, #tpu.memory_space<vmem>>, vector<16xf32>,
      %swap3A_339 = vector.shape_cast %swap3A_338 : vector<16xf32> to vector<16xf32>
      %swap3A_340 = vector.shape_cast %broadcast_in_dim3A_85 : vector<16xf32> to vector<16xf32>
      tpu.vector_store %arg13[%swap3A_337], %swap3A_340 {strides = array<i32>} : memref<8192xf32, #tpu.memory_space<vmem>>, vector<16xf32>,
      %scan3A_341 = arith.constant 0 : i32
      scf.yield %scan3A_341 : i32
    }
    %scan3A_114 = arith.constant 512 : i32
    %dma_wait3A = arith.constant 0 : i32
    %dma_wait3A_115 = arith.constant 0 : i32
    %dma_wait3A_116 = arith.constant 0 : i32
    %dma_wait3A_117 = tpu.memref_slice %arg9[%dma_wait3A_115, %dma_wait3A_116] : memref<576x64xf32, #tpu.memory_space<vmem>> -> memref<96x64xf32, #tpu.memory_space<vmem>>
    %dma_wait3A_118 = arith.constant 0 : i32
    %dma_wait3A_119 = tpu.memref_slice %arg8[%dma_wait3A, %dma_wait3A_118] : memref<6x96xi32, #tpu.memory_space<vmem>> -> memref<1x96xi32, #tpu.memory_space<vmem>>
    %dma_wait3A_120 = tpu.memref_squeeze %dma_wait3A_119 : memref<1x96xi32, #tpu.memory_space<vmem>> -> memref<96xi32, #tpu.memory_space<vmem>>
    %dma_wait3A_121 = arith.constant 0 : i32
    %dma_wait3A_122 = arith.constant 0 : i32
    %dma_wait3A_123 = tpu.memref_slice %arg4[%dma_wait3A_121, %dma_wait3A_122] : memref<8192x64xf32, #tpu.memory_space<hbm>> -> memref<8192x64xf32, #tpu.memory_space<hbm>>
    tpu.wait_indirect_dma semaphore(%arg15 : memref<!tpu.dma_semaphore, #tpu.memory_space<semaphore_mem>>) src(%dma_wait3A_123 : memref<8192x64xf32, #tpu.memory_space<hbm>>) dst(%dma_wait3A_117 : memref<96x64xf32, #tpu.memory_space<vmem>>)
    %dma_wait3A_124 = arith.constant 1 : i32
    %dma_wait3A_125 = arith.constant 96 : i32
    %dma_wait3A_126 = arith.constant 0 : i32
    %dma_wait3A_127 = tpu.memref_slice %arg9[%dma_wait3A_125, %dma_wait3A_126] : memref<576x64xf32, #tpu.memory_space<vmem>> -> memref<96x64xf32, #tpu.memory_space<vmem>>
    %dma_wait3A_128 = arith.constant 0 : i32
    %dma_wait3A_129 = tpu.memref_slice %arg8[%dma_wait3A_124, %dma_wait3A_128] : memref<6x96xi32, #tpu.memory_space<vmem>> -> memref<1x96xi32, #tpu.memory_space<vmem>>
    %dma_wait3A_130 = tpu.memref_squeeze %dma_wait3A_129 : memref<1x96xi32, #tpu.memory_space<vmem>> -> memref<96xi32, #tpu.memory_space<vmem>>
    %dma_wait3A_131 = arith.constant 0 : i32
    %dma_wait3A_132 = arith.constant 0 : i32
    %dma_wait3A_133 = tpu.memref_slice %arg4[%dma_wait3A_131, %dma_wait3A_132] : memref<8192x64xf32, #tpu.memory_space<hbm>> -> memref<8192x64xf32, #tpu.memory_space<hbm>>
    tpu.wait_indirect_dma semaphore(%arg15 : memref<!tpu.dma_semaphore, #tpu.memory_space<semaphore_mem>>) src(%dma_wait3A_133 : memref<8192x64xf32, #tpu.memory_space<hbm>>) dst(%dma_wait3A_127 : memref<96x64xf32, #tpu.memory_space<vmem>>)
    %dma_wait3A_134 = arith.constant 2 : i32
    %dma_wait3A_135 = arith.constant 192 : i32
    %dma_wait3A_136 = arith.constant 0 : i32
    %dma_wait3A_137 = tpu.memref_slice %arg9[%dma_wait3A_135, %dma_wait3A_136] : memref<576x64xf32, #tpu.memory_space<vmem>> -> memref<96x64xf32, #tpu.memory_space<vmem>>
    %dma_wait3A_138 = arith.constant 0 : i32
    %dma_wait3A_139 = tpu.memref_slice %arg8[%dma_wait3A_134, %dma_wait3A_138] : memref<6x96xi32, #tpu.memory_space<vmem>> -> memref<1x96xi32, #tpu.memory_space<vmem>>
    %dma_wait3A_140 = tpu.memref_squeeze %dma_wait3A_139 : memref<1x96xi32, #tpu.memory_space<vmem>> -> memref<96xi32, #tpu.memory_space<vmem>>
    %dma_wait3A_141 = arith.constant 0 : i32
    %dma_wait3A_142 = arith.constant 0 : i32
    %dma_wait3A_143 = tpu.memref_slice %arg4[%dma_wait3A_141, %dma_wait3A_142] : memref<8192x64xf32, #tpu.memory_space<hbm>> -> memref<8192x64xf32, #tpu.memory_space<hbm>>
    tpu.wait_indirect_dma semaphore(%arg15 : memref<!tpu.dma_semaphore, #tpu.memory_space<semaphore_mem>>) src(%dma_wait3A_143 : memref<8192x64xf32, #tpu.memory_space<hbm>>) dst(%dma_wait3A_137 : memref<96x64xf32, #tpu.memory_space<vmem>>)
    %dma_wait3A_144 = arith.constant 3 : i32
    %dma_wait3A_145 = arith.constant 288 : i32
    %dma_wait3A_146 = arith.constant 0 : i32
    %dma_wait3A_147 = tpu.memref_slice %arg9[%dma_wait3A_145, %dma_wait3A_146] : memref<576x64xf32, #tpu.memory_space<vmem>> -> memref<96x64xf32, #tpu.memory_space<vmem>>
    %dma_wait3A_148 = arith.constant 0 : i32
    %dma_wait3A_149 = tpu.memref_slice %arg8[%dma_wait3A_144, %dma_wait3A_148] : memref<6x96xi32, #tpu.memory_space<vmem>> -> memref<1x96xi32, #tpu.memory_space<vmem>>
    %dma_wait3A_150 = tpu.memref_squeeze %dma_wait3A_149 : memref<1x96xi32, #tpu.memory_space<vmem>> -> memref<96xi32, #tpu.memory_space<vmem>>
    %dma_wait3A_151 = arith.constant 0 : i32
    %dma_wait3A_152 = arith.constant 0 : i32
    %dma_wait3A_153 = tpu.memref_slice %arg4[%dma_wait3A_151, %dma_wait3A_152] : memref<8192x64xf32, #tpu.memory_space<hbm>> -> memref<8192x64xf32, #tpu.memory_space<hbm>>
    tpu.wait_indirect_dma semaphore(%arg15 : memref<!tpu.dma_semaphore, #tpu.memory_space<semaphore_mem>>) src(%dma_wait3A_153 : memref<8192x64xf32, #tpu.memory_space<hbm>>) dst(%dma_wait3A_147 : memref<96x64xf32, #tpu.memory_space<vmem>>)
    %dma_wait3A_154 = arith.constant 4 : i32
    %dma_wait3A_155 = arith.constant 384 : i32
    %dma_wait3A_156 = arith.constant 0 : i32
    %dma_wait3A_157 = tpu.memref_slice %arg9[%dma_wait3A_155, %dma_wait3A_156] : memref<576x64xf32, #tpu.memory_space<vmem>> -> memref<96x64xf32, #tpu.memory_space<vmem>>
    %dma_wait3A_158 = arith.constant 0 : i32
    %dma_wait3A_159 = tpu.memref_slice %arg8[%dma_wait3A_154, %dma_wait3A_158] : memref<6x96xi32, #tpu.memory_space<vmem>> -> memref<1x96xi32, #tpu.memory_space<vmem>>
    %dma_wait3A_160 = tpu.memref_squeeze %dma_wait3A_159 : memref<1x96xi32, #tpu.memory_space<vmem>> -> memref<96xi32, #tpu.memory_space<vmem>>
    %dma_wait3A_161 = arith.constant 0 : i32
    %dma_wait3A_162 = arith.constant 0 : i32
    %dma_wait3A_163 = tpu.memref_slice %arg4[%dma_wait3A_161, %dma_wait3A_162] : memref<8192x64xf32, #tpu.memory_space<hbm>> -> memref<8192x64xf32, #tpu.memory_space<hbm>>
    tpu.wait_indirect_dma semaphore(%arg15 : memref<!tpu.dma_semaphore, #tpu.memory_space<semaphore_mem>>) src(%dma_wait3A_163 : memref<8192x64xf32, #tpu.memory_space<hbm>>) dst(%dma_wait3A_157 : memref<96x64xf32, #tpu.memory_space<vmem>>)
    %dma_wait3A_164 = arith.constant 5 : i32
    %dma_wait3A_165 = arith.constant 480 : i32
    %dma_wait3A_166 = arith.constant 0 : i32
    %dma_wait3A_167 = tpu.memref_slice %arg9[%dma_wait3A_165, %dma_wait3A_166] : memref<576x64xf32, #tpu.memory_space<vmem>> -> memref<96x64xf32, #tpu.memory_space<vmem>>
    %dma_wait3A_168 = arith.constant 0 : i32
    %dma_wait3A_169 = tpu.memref_slice %arg8[%dma_wait3A_164, %dma_wait3A_168] : memref<6x96xi32, #tpu.memory_space<vmem>> -> memref<1x96xi32, #tpu.memory_space<vmem>>
    %dma_wait3A_170 = tpu.memref_squeeze %dma_wait3A_169 : memref<1x96xi32, #tpu.memory_space<vmem>> -> memref<96xi32, #tpu.memory_space<vmem>>
    %dma_wait3A_171 = arith.constant 0 : i32
    %dma_wait3A_172 = arith.constant 0 : i32
    %dma_wait3A_173 = tpu.memref_slice %arg4[%dma_wait3A_171, %dma_wait3A_172] : memref<8192x64xf32, #tpu.memory_space<hbm>> -> memref<8192x64xf32, #tpu.memory_space<hbm>>
    tpu.wait_indirect_dma semaphore(%arg15 : memref<!tpu.dma_semaphore, #tpu.memory_space<semaphore_mem>>) src(%dma_wait3A_173 : memref<8192x64xf32, #tpu.memory_space<hbm>>) dst(%dma_wait3A_167 : memref<96x64xf32, #tpu.memory_space<vmem>>)
    %dma_wait3A_174 = arith.constant 0 : i32
    %dma_wait3A_175 = tpu.memref_slice %arg3[%mul3A_2, %dma_wait3A_174] : memref<18432x64xf32, #tpu.memory_space<hbm>> -> memref<576x64xf32, #tpu.memory_space<hbm>>
    %dma_wait3A_176 = arith.constant 0 : i32
    %dma_wait3A_177 = tpu.memref_slice %arg3[%mul3A_2, %dma_wait3A_176] : memref<18432x64xf32, #tpu.memory_space<hbm>> -> memref<576x64xf32, #tpu.memory_space<hbm>>
    tpu.wait_dma2 semaphore(%arg16 : memref<!tpu.dma_semaphore, #tpu.memory_space<semaphore_mem>>) src(%dma_wait3A_177 : memref<576x64xf32, #tpu.memory_space<hbm>>) dst(%arg10 : memref<576x64xf32, #tpu.memory_space<vmem>>)
    %eq3A = arith.constant 0 : i32
    %eq3A_178 = arith.cmpi eq, %arg1, %eq3A : i32
    %convert_element_type3A = arith.extui %eq3A_178 : i1 to i32
    %cond3A = arith.constant 0 : i32
    %cond3A_179 = arith.cmpi ne, %convert_element_type3A, %cond3A : i32
    scf.if %cond3A_179 {
      "tpu.region"() ({
        %run_scoped3A_270 = tpu.sem_alloc : memref<!tpu.dma_semaphore, #tpu.memory_space<semaphore_mem>>
        tpu.enqueue_dma source(%arg13 : memref<8192xf32, #tpu.memory_space<vmem>>) target(%arg14 : memref<8192xf32, #tpu.memory_space<vmem_shared>>) target_semaphore(%run_scoped3A_270 : memref<!tpu.dma_semaphore, #tpu.memory_space<semaphore_mem>>)
        tpu.wait_dma2 semaphore(%run_scoped3A_270 : memref<!tpu.dma_semaphore, #tpu.memory_space<semaphore_mem>>) src(%arg13 : memref<8192xf32, #tpu.memory_space<vmem>>) dst(%arg14 : memref<8192xf32, #tpu.memory_space<vmem_shared>>)
        tpu.yield
      }) : () -> ()
    } else {
    }
    %barrier3A = arith.constant 0 : index
    tpu.barrier barrier_id(%barrier3A)
    %dma_start3A_180 = arith.constant 0 : i32
    %dma_start3A_181 = arith.constant 0 : i32
    %dma_start3A_182 = tpu.memref_slice %arg8[%dma_start3A_180, %dma_start3A_181] : memref<6x96xi32, #tpu.memory_space<vmem>> -> memref<1x96xi32, #tpu.memory_space<vmem>>
    %dma_start3A_183 = tpu.memref_squeeze %dma_start3A_182 : memref<1x96xi32, #tpu.memory_space<vmem>> -> memref<96xi32, #tpu.memory_space<vmem>>
    %dma_start3A_184 = arith.constant 0 : i32
    %dma_start3A_185 = tpu.memref_slice %arg14[%dma_start3A_184] : memref<8192xf32, #tpu.memory_space<vmem_shared>> -> memref<8192xf32, #tpu.memory_space<vmem_shared>>
    tpu.enqueue_indirect_dma source(%arg11 : memref<96xf32, #tpu.memory_space<vmem>>) target(%dma_start3A_185 : memref<8192xf32, #tpu.memory_space<vmem_shared>>) offsets(%dma_start3A_183 : memref<96xi32, #tpu.memory_space<vmem>>) semaphore(%arg17 : memref<!tpu.dma_semaphore, #tpu.memory_space<semaphore_mem>>) {add = true}
    %dma_wait3A_186 = arith.constant 0 : i32
    %dma_wait3A_187 = arith.constant 0 : i32
    %dma_wait3A_188 = tpu.memref_slice %arg8[%dma_wait3A_186, %dma_wait3A_187] : memref<6x96xi32, #tpu.memory_space<vmem>> -> memref<1x96xi32, #tpu.memory_space<vmem>>
    %dma_wait3A_189 = tpu.memref_squeeze %dma_wait3A_188 : memref<1x96xi32, #tpu.memory_space<vmem>> -> memref<96xi32, #tpu.memory_space<vmem>>
    %dma_wait3A_190 = arith.constant 0 : i32
    %dma_wait3A_191 = tpu.memref_slice %arg14[%dma_wait3A_190] : memref<8192xf32, #tpu.memory_space<vmem_shared>> -> memref<8192xf32, #tpu.memory_space<vmem_shared>>
    tpu.wait_indirect_dma semaphore(%arg17 : memref<!tpu.dma_semaphore, #tpu.memory_space<semaphore_mem>>) src(%arg11 : memref<96xf32, #tpu.memory_space<vmem>>) dst(%dma_wait3A_191 : memref<8192xf32, #tpu.memory_space<vmem_shared>>)
    %dma_start3A_192 = arith.constant 1 : i32
    %dma_start3A_193 = arith.constant 0 : i32
    %dma_start3A_194 = tpu.memref_slice %arg8[%dma_start3A_192, %dma_start3A_193] : memref<6x96xi32, #tpu.memory_space<vmem>> -> memref<1x96xi32, #tpu.memory_space<vmem>>
    %dma_start3A_195 = tpu.memref_squeeze %dma_start3A_194 : memref<1x96xi32, #tpu.memory_space<vmem>> -> memref<96xi32, #tpu.memory_space<vmem>>
    %dma_start3A_196 = arith.constant 0 : i32
    %dma_start3A_197 = tpu.memref_slice %arg14[%dma_start3A_196] : memref<8192xf32, #tpu.memory_space<vmem_shared>> -> memref<8192xf32, #tpu.memory_space<vmem_shared>>
    tpu.enqueue_indirect_dma source(%arg11 : memref<96xf32, #tpu.memory_space<vmem>>) target(%dma_start3A_197 : memref<8192xf32, #tpu.memory_space<vmem_shared>>) offsets(%dma_start3A_195 : memref<96xi32, #tpu.memory_space<vmem>>) semaphore(%arg17 : memref<!tpu.dma_semaphore, #tpu.memory_space<semaphore_mem>>) {add = true}
    %dma_wait3A_198 = arith.constant 1 : i32
    %dma_wait3A_199 = arith.constant 0 : i32
    %dma_wait3A_200 = tpu.memref_slice %arg8[%dma_wait3A_198, %dma_wait3A_199] : memref<6x96xi32, #tpu.memory_space<vmem>> -> memref<1x96xi32, #tpu.memory_space<vmem>>
    %dma_wait3A_201 = tpu.memref_squeeze %dma_wait3A_200 : memref<1x96xi32, #tpu.memory_space<vmem>> -> memref<96xi32, #tpu.memory_space<vmem>>
    %dma_wait3A_202 = arith.constant 0 : i32
    %dma_wait3A_203 = tpu.memref_slice %arg14[%dma_wait3A_202] : memref<8192xf32, #tpu.memory_space<vmem_shared>> -> memref<8192xf32, #tpu.memory_space<vmem_shared>>
    tpu.wait_indirect_dma semaphore(%arg17 : memref<!tpu.dma_semaphore, #tpu.memory_space<semaphore_mem>>) src(%arg11 : memref<96xf32, #tpu.memory_space<vmem>>) dst(%dma_wait3A_203 : memref<8192xf32, #tpu.memory_space<vmem_shared>>)
    %dma_start3A_204 = arith.constant 2 : i32
    %dma_start3A_205 = arith.constant 0 : i32
    %dma_start3A_206 = tpu.memref_slice %arg8[%dma_start3A_204, %dma_start3A_205] : memref<6x96xi32, #tpu.memory_space<vmem>> -> memref<1x96xi32, #tpu.memory_space<vmem>>
    %dma_start3A_207 = tpu.memref_squeeze %dma_start3A_206 : memref<1x96xi32, #tpu.memory_space<vmem>> -> memref<96xi32, #tpu.memory_space<vmem>>
    %dma_start3A_208 = arith.constant 0 : i32
    %dma_start3A_209 = tpu.memref_slice %arg14[%dma_start3A_208] : memref<8192xf32, #tpu.memory_space<vmem_shared>> -> memref<8192xf32, #tpu.memory_space<vmem_shared>>
    tpu.enqueue_indirect_dma source(%arg11 : memref<96xf32, #tpu.memory_space<vmem>>) target(%dma_start3A_209 : memref<8192xf32, #tpu.memory_space<vmem_shared>>) offsets(%dma_start3A_207 : memref<96xi32, #tpu.memory_space<vmem>>) semaphore(%arg17 : memref<!tpu.dma_semaphore, #tpu.memory_space<semaphore_mem>>) {add = true}
    %dma_wait3A_210 = arith.constant 2 : i32
    %dma_wait3A_211 = arith.constant 0 : i32
    %dma_wait3A_212 = tpu.memref_slice %arg8[%dma_wait3A_210, %dma_wait3A_211] : memref<6x96xi32, #tpu.memory_space<vmem>> -> memref<1x96xi32, #tpu.memory_space<vmem>>
    %dma_wait3A_213 = tpu.memref_squeeze %dma_wait3A_212 : memref<1x96xi32, #tpu.memory_space<vmem>> -> memref<96xi32, #tpu.memory_space<vmem>>
    %dma_wait3A_214 = arith.constant 0 : i32
    %dma_wait3A_215 = tpu.memref_slice %arg14[%dma_wait3A_214] : memref<8192xf32, #tpu.memory_space<vmem_shared>> -> memref<8192xf32, #tpu.memory_space<vmem_shared>>
    tpu.wait_indirect_dma semaphore(%arg17 : memref<!tpu.dma_semaphore, #tpu.memory_space<semaphore_mem>>) src(%arg11 : memref<96xf32, #tpu.memory_space<vmem>>) dst(%dma_wait3A_215 : memref<8192xf32, #tpu.memory_space<vmem_shared>>)
    %dma_start3A_216 = arith.constant 3 : i32
    %dma_start3A_217 = arith.constant 0 : i32
    %dma_start3A_218 = tpu.memref_slice %arg8[%dma_start3A_216, %dma_start3A_217] : memref<6x96xi32, #tpu.memory_space<vmem>> -> memref<1x96xi32, #tpu.memory_space<vmem>>
    %dma_start3A_219 = tpu.memref_squeeze %dma_start3A_218 : memref<1x96xi32, #tpu.memory_space<vmem>> -> memref<96xi32, #tpu.memory_space<vmem>>
    %dma_start3A_220 = arith.constant 0 : i32
    %dma_start3A_221 = tpu.memref_slice %arg14[%dma_start3A_220] : memref<8192xf32, #tpu.memory_space<vmem_shared>> -> memref<8192xf32, #tpu.memory_space<vmem_shared>>
    tpu.enqueue_indirect_dma source(%arg11 : memref<96xf32, #tpu.memory_space<vmem>>) target(%dma_start3A_221 : memref<8192xf32, #tpu.memory_space<vmem_shared>>) offsets(%dma_start3A_219 : memref<96xi32, #tpu.memory_space<vmem>>) semaphore(%arg17 : memref<!tpu.dma_semaphore, #tpu.memory_space<semaphore_mem>>) {add = true}
    %dma_wait3A_222 = arith.constant 3 : i32
    %dma_wait3A_223 = arith.constant 0 : i32
    %dma_wait3A_224 = tpu.memref_slice %arg8[%dma_wait3A_222, %dma_wait3A_223] : memref<6x96xi32, #tpu.memory_space<vmem>> -> memref<1x96xi32, #tpu.memory_space<vmem>>
    %dma_wait3A_225 = tpu.memref_squeeze %dma_wait3A_224 : memref<1x96xi32, #tpu.memory_space<vmem>> -> memref<96xi32, #tpu.memory_space<vmem>>
    %dma_wait3A_226 = arith.constant 0 : i32
    %dma_wait3A_227 = tpu.memref_slice %arg14[%dma_wait3A_226] : memref<8192xf32, #tpu.memory_space<vmem_shared>> -> memref<8192xf32, #tpu.memory_space<vmem_shared>>
    tpu.wait_indirect_dma semaphore(%arg17 : memref<!tpu.dma_semaphore, #tpu.memory_space<semaphore_mem>>) src(%arg11 : memref<96xf32, #tpu.memory_space<vmem>>) dst(%dma_wait3A_227 : memref<8192xf32, #tpu.memory_space<vmem_shared>>)
    %dma_start3A_228 = arith.constant 4 : i32
    %dma_start3A_229 = arith.constant 0 : i32
    %dma_start3A_230 = tpu.memref_slice %arg8[%dma_start3A_228, %dma_start3A_229] : memref<6x96xi32, #tpu.memory_space<vmem>> -> memref<1x96xi32, #tpu.memory_space<vmem>>
    %dma_start3A_231 = tpu.memref_squeeze %dma_start3A_230 : memref<1x96xi32, #tpu.memory_space<vmem>> -> memref<96xi32, #tpu.memory_space<vmem>>
    %dma_start3A_232 = arith.constant 0 : i32
    %dma_start3A_233 = tpu.memref_slice %arg14[%dma_start3A_232] : memref<8192xf32, #tpu.memory_space<vmem_shared>> -> memref<8192xf32, #tpu.memory_space<vmem_shared>>
    tpu.enqueue_indirect_dma source(%arg11 : memref<96xf32, #tpu.memory_space<vmem>>) target(%dma_start3A_233 : memref<8192xf32, #tpu.memory_space<vmem_shared>>) offsets(%dma_start3A_231 : memref<96xi32, #tpu.memory_space<vmem>>) semaphore(%arg17 : memref<!tpu.dma_semaphore, #tpu.memory_space<semaphore_mem>>) {add = true}
    %dma_wait3A_234 = arith.constant 4 : i32
    %dma_wait3A_235 = arith.constant 0 : i32
    %dma_wait3A_236 = tpu.memref_slice %arg8[%dma_wait3A_234, %dma_wait3A_235] : memref<6x96xi32, #tpu.memory_space<vmem>> -> memref<1x96xi32, #tpu.memory_space<vmem>>
    %dma_wait3A_237 = tpu.memref_squeeze %dma_wait3A_236 : memref<1x96xi32, #tpu.memory_space<vmem>> -> memref<96xi32, #tpu.memory_space<vmem>>
    %dma_wait3A_238 = arith.constant 0 : i32
    %dma_wait3A_239 = tpu.memref_slice %arg14[%dma_wait3A_238] : memref<8192xf32, #tpu.memory_space<vmem_shared>> -> memref<8192xf32, #tpu.memory_space<vmem_shared>>
    tpu.wait_indirect_dma semaphore(%arg17 : memref<!tpu.dma_semaphore, #tpu.memory_space<semaphore_mem>>) src(%arg11 : memref<96xf32, #tpu.memory_space<vmem>>) dst(%dma_wait3A_239 : memref<8192xf32, #tpu.memory_space<vmem_shared>>)
    %dma_start3A_240 = arith.constant 5 : i32
    %dma_start3A_241 = arith.constant 0 : i32
    %dma_start3A_242 = tpu.memref_slice %arg8[%dma_start3A_240, %dma_start3A_241] : memref<6x96xi32, #tpu.memory_space<vmem>> -> memref<1x96xi32, #tpu.memory_space<vmem>>
    %dma_start3A_243 = tpu.memref_squeeze %dma_start3A_242 : memref<1x96xi32, #tpu.memory_space<vmem>> -> memref<96xi32, #tpu.memory_space<vmem>>
    %dma_start3A_244 = arith.constant 0 : i32
    %dma_start3A_245 = tpu.memref_slice %arg14[%dma_start3A_244] : memref<8192xf32, #tpu.memory_space<vmem_shared>> -> memref<8192xf32, #tpu.memory_space<vmem_shared>>
    tpu.enqueue_indirect_dma source(%arg11 : memref<96xf32, #tpu.memory_space<vmem>>) target(%dma_start3A_245 : memref<8192xf32, #tpu.memory_space<vmem_shared>>) offsets(%dma_start3A_243 : memref<96xi32, #tpu.memory_space<vmem>>) semaphore(%arg17 : memref<!tpu.dma_semaphore, #tpu.memory_space<semaphore_mem>>) {add = true}
    %dma_wait3A_246 = arith.constant 5 : i32
    %dma_wait3A_247 = arith.constant 0 : i32
    %dma_wait3A_248 = tpu.memref_slice %arg8[%dma_wait3A_246, %dma_wait3A_247] : memref<6x96xi32, #tpu.memory_space<vmem>> -> memref<1x96xi32, #tpu.memory_space<vmem>>
    %dma_wait3A_249 = tpu.memref_squeeze %dma_wait3A_248 : memref<1x96xi32, #tpu.memory_space<vmem>> -> memref<96xi32, #tpu.memory_space<vmem>>
    %dma_wait3A_250 = arith.constant 0 : i32
    %dma_wait3A_251 = tpu.memref_slice %arg14[%dma_wait3A_250] : memref<8192xf32, #tpu.memory_space<vmem_shared>> -> memref<8192xf32, #tpu.memory_space<vmem_shared>>
    tpu.wait_indirect_dma semaphore(%arg17 : memref<!tpu.dma_semaphore, #tpu.memory_space<semaphore_mem>>) src(%arg11 : memref<96xf32, #tpu.memory_space<vmem>>) dst(%dma_wait3A_251 : memref<8192xf32, #tpu.memory_space<vmem_shared>>)
    %broadcast_in_dim3A_252 = arith.constant 0.000000e+00 : f32
    %broadcast_in_dim3A_253 = vector.broadcast %broadcast_in_dim3A_252 : f32 to vector<16xf32>
    %scan3A_254 = arith.constant 0 : i32
    %scan3A_255 = arith.constant 576 : i32
    %scan3A_256 = arith.addi %scan3A_254, %scan3A_255 : i32
    %scan3A_257 = arith.constant 8 : i32
    %scan3A_258 = scf.for %scan3A_270 = %scan3A_254 to %scan3A_256 step %scan3A_257 iter_args(%scan3A_271 = %broadcast_in_dim3A_253) -> (vector<16xf32>)  : i32 {
      %get3A = arith.index_cast %scan3A_270 : i32 to index
      %get3A_272 = arith.constant 0 : index
      %get3A_273 = tpu.vector_load %arg9[%get3A, %get3A_272] {strides = array<i32>} : memref<576x64xf32, #tpu.memory_space<vmem>>, vector<1x16xf32>,
      %get3A_274 = vector.shape_cast %get3A_273 : vector<1x16xf32> to vector<16xf32>
      %get3A_275 = arith.index_cast %scan3A_270 : i32 to index
      %get3A_276 = arith.constant 0 : index
      %get3A_277 = tpu.vector_load %arg10[%get3A_275, %get3A_276] {strides = array<i32>} : memref<576x64xf32, #tpu.memory_space<vmem>>, vector<1x16xf32>,
      %get3A_278 = vector.shape_cast %get3A_277 : vector<1x16xf32> to vector<16xf32>
      %sub3A = arith.subf %get3A_274, %get3A_278 : vector<16xf32>
      %mul3A_279 = arith.mulf %sub3A, %sub3A : vector<16xf32>
      %add3A_280 = arith.addf %scan3A_271, %mul3A_279 : vector<16xf32>
      %add3A_281 = arith.addf %get3A_278, %sub3A : vector<16xf32>
      %swap3A_282 = arith.index_cast %scan3A_270 : i32 to index
      %swap3A_283 = arith.constant 0 : index
      %swap3A_284 = tpu.vector_load %arg9[%swap3A_282, %swap3A_283] {strides = array<i32>} : memref<576x64xf32, #tpu.memory_space<vmem>>, vector<1x16xf32>,
      %swap3A_285 = vector.shape_cast %swap3A_284 : vector<1x16xf32> to vector<16xf32>
      %swap3A_286 = vector.shape_cast %add3A_281 : vector<16xf32> to vector<1x16xf32>
      tpu.vector_store %arg9[%swap3A_282, %swap3A_283], %swap3A_286 {strides = array<i32>} : memref<576x64xf32, #tpu.memory_space<vmem>>, vector<1x16xf32>,
      %get3A_287 = arith.index_cast %scan3A_270 : i32 to index
      %get3A_288 = arith.constant 16 : index
      %get3A_289 = tpu.vector_load %arg9[%get3A_287, %get3A_288] {strides = array<i32>} : memref<576x64xf32, #tpu.memory_space<vmem>>, vector<1x16xf32>,
      %get3A_290 = vector.shape_cast %get3A_289 : vector<1x16xf32> to vector<16xf32>
      %get3A_291 = arith.index_cast %scan3A_270 : i32 to index
      %get3A_292 = arith.constant 16 : index
      %get3A_293 = tpu.vector_load %arg10[%get3A_291, %get3A_292] {strides = array<i32>} : memref<576x64xf32, #tpu.memory_space<vmem>>, vector<1x16xf32>,
      %get3A_294 = vector.shape_cast %get3A_293 : vector<1x16xf32> to vector<16xf32>
      %sub3A_295 = arith.subf %get3A_290, %get3A_294 : vector<16xf32>
      %mul3A_296 = arith.mulf %sub3A_295, %sub3A_295 : vector<16xf32>
      %add3A_297 = arith.addf %add3A_280, %mul3A_296 : vector<16xf32>
      %add3A_298 = arith.addf %get3A_294, %sub3A_295 : vector<16xf32>
      %swap3A_299 = arith.index_cast %scan3A_270 : i32 to index
      %swap3A_300 = arith.constant 16 : index
      %swap3A_301 = tpu.vector_load %arg9[%swap3A_299, %swap3A_300] {strides = array<i32>} : memref<576x64xf32, #tpu.memory_space<vmem>>, vector<1x16xf32>,
      %swap3A_302 = vector.shape_cast %swap3A_301 : vector<1x16xf32> to vector<16xf32>
      %swap3A_303 = vector.shape_cast %add3A_298 : vector<16xf32> to vector<1x16xf32>
      tpu.vector_store %arg9[%swap3A_299, %swap3A_300], %swap3A_303 {strides = array<i32>} : memref<576x64xf32, #tpu.memory_space<vmem>>, vector<1x16xf32>,
      %get3A_304 = arith.index_cast %scan3A_270 : i32 to index
      %get3A_305 = arith.constant 32 : index
      %get3A_306 = tpu.vector_load %arg9[%get3A_304, %get3A_305] {strides = array<i32>} : memref<576x64xf32, #tpu.memory_space<vmem>>, vector<1x16xf32>,
      %get3A_307 = vector.shape_cast %get3A_306 : vector<1x16xf32> to vector<16xf32>
      %get3A_308 = arith.index_cast %scan3A_270 : i32 to index
      %get3A_309 = arith.constant 32 : index
      %get3A_310 = tpu.vector_load %arg10[%get3A_308, %get3A_309] {strides = array<i32>} : memref<576x64xf32, #tpu.memory_space<vmem>>, vector<1x16xf32>,
      %get3A_311 = vector.shape_cast %get3A_310 : vector<1x16xf32> to vector<16xf32>
      %sub3A_312 = arith.subf %get3A_307, %get3A_311 : vector<16xf32>
      %mul3A_313 = arith.mulf %sub3A_312, %sub3A_312 : vector<16xf32>
      %add3A_314 = arith.addf %add3A_297, %mul3A_313 : vector<16xf32>
      %add3A_315 = arith.addf %get3A_311, %sub3A_312 : vector<16xf32>
      %swap3A_316 = arith.index_cast %scan3A_270 : i32 to index
      %swap3A_317 = arith.constant 32 : index
      %swap3A_318 = tpu.vector_load %arg9[%swap3A_316, %swap3A_317] {strides = array<i32>} : memref<576x64xf32, #tpu.memory_space<vmem>>, vector<1x16xf32>,
      %swap3A_319 = vector.shape_cast %swap3A_318 : vector<1x16xf32> to vector<16xf32>
      %swap3A_320 = vector.shape_cast %add3A_315 : vector<16xf32> to vector<1x16xf32>
      tpu.vector_store %arg9[%swap3A_316, %swap3A_317], %swap3A_320 {strides = array<i32>} : memref<576x64xf32, #tpu.memory_space<vmem>>, vector<1x16xf32>,
      %get3A_321 = arith.index_cast %scan3A_270 : i32 to index
      %get3A_322 = arith.constant 48 : index
      %get3A_323 = tpu.vector_load %arg9[%get3A_321, %get3A_322] {strides = array<i32>} : memref<576x64xf32, #tpu.memory_space<vmem>>, vector<1x16xf32>,
      %get3A_324 = vector.shape_cast %get3A_323 : vector<1x16xf32> to vector<16xf32>
      %get3A_325 = arith.index_cast %scan3A_270 : i32 to index
      %get3A_326 = arith.constant 48 : index
      %get3A_327 = tpu.vector_load %arg10[%get3A_325, %get3A_326] {strides = array<i32>} : memref<576x64xf32, #tpu.memory_space<vmem>>, vector<1x16xf32>,
      %get3A_328 = vector.shape_cast %get3A_327 : vector<1x16xf32> to vector<16xf32>
      %sub3A_329 = arith.subf %get3A_324, %get3A_328 : vector<16xf32>
      %mul3A_330 = arith.mulf %sub3A_329, %sub3A_329 : vector<16xf32>
      %add3A_331 = arith.addf %add3A_314, %mul3A_330 : vector<16xf32>
      %add3A_332 = arith.addf %get3A_328, %sub3A_329 : vector<16xf32>
      %swap3A_333 = arith.index_cast %scan3A_270 : i32 to index
      %swap3A_334 = arith.constant 48 : index
      %swap3A_335 = tpu.vector_load %arg9[%swap3A_333, %swap3A_334] {strides = array<i32>} : memref<576x64xf32, #tpu.memory_space<vmem>>, vector<1x16xf32>,
      %swap3A_336 = vector.shape_cast %swap3A_335 : vector<1x16xf32> to vector<16xf32>
      %swap3A_337 = vector.shape_cast %add3A_332 : vector<16xf32> to vector<1x16xf32>
      tpu.vector_store %arg9[%swap3A_333, %swap3A_334], %swap3A_337 {strides = array<i32>} : memref<576x64xf32, #tpu.memory_space<vmem>>, vector<1x16xf32>,
      %scan3A_338 = arith.constant 1 : i32
      %scan3A_339 = arith.addi %scan3A_270, %scan3A_338 : i32
      %get3A_340 = arith.index_cast %scan3A_339 : i32 to index
      %get3A_341 = arith.constant 0 : index
      %get3A_342 = tpu.vector_load %arg9[%get3A_340, %get3A_341] {strides = array<i32>} : memref<576x64xf32, #tpu.memory_space<vmem>>, vector<1x16xf32>,
      %get3A_343 = vector.shape_cast %get3A_342 : vector<1x16xf32> to vector<16xf32>
      %get3A_344 = arith.index_cast %scan3A_339 : i32 to index
      %get3A_345 = arith.constant 0 : index
      %get3A_346 = tpu.vector_load %arg10[%get3A_344, %get3A_345] {strides = array<i32>} : memref<576x64xf32, #tpu.memory_space<vmem>>, vector<1x16xf32>,
      %get3A_347 = vector.shape_cast %get3A_346 : vector<1x16xf32> to vector<16xf32>
      %sub3A_348 = arith.subf %get3A_343, %get3A_347 : vector<16xf32>
      %mul3A_349 = arith.mulf %sub3A_348, %sub3A_348 : vector<16xf32>
      %add3A_350 = arith.addf %add3A_331, %mul3A_349 : vector<16xf32>
      %add3A_351 = arith.addf %get3A_347, %sub3A_348 : vector<16xf32>
      %swap3A_352 = arith.index_cast %scan3A_339 : i32 to index
      %swap3A_353 = arith.constant 0 : index
      %swap3A_354 = tpu.vector_load %arg9[%swap3A_352, %swap3A_353] {strides = array<i32>} : memref<576x64xf32, #tpu.memory_space<vmem>>, vector<1x16xf32>,
      %swap3A_355 = vector.shape_cast %swap3A_354 : vector<1x16xf32> to vector<16xf32>
      %swap3A_356 = vector.shape_cast %add3A_351 : vector<16xf32> to vector<1x16xf32>
      tpu.vector_store %arg9[%swap3A_352, %swap3A_353], %swap3A_356 {strides = array<i32>} : memref<576x64xf32, #tpu.memory_space<vmem>>, vector<1x16xf32>,
      %get3A_357 = arith.index_cast %scan3A_339 : i32 to index
      %get3A_358 = arith.constant 16 : index
      %get3A_359 = tpu.vector_load %arg9[%get3A_357, %get3A_358] {strides = array<i32>} : memref<576x64xf32, #tpu.memory_space<vmem>>, vector<1x16xf32>,
      %get3A_360 = vector.shape_cast %get3A_359 : vector<1x16xf32> to vector<16xf32>
      %get3A_361 = arith.index_cast %scan3A_339 : i32 to index
      %get3A_362 = arith.constant 16 : index
      %get3A_363 = tpu.vector_load %arg10[%get3A_361, %get3A_362] {strides = array<i32>} : memref<576x64xf32, #tpu.memory_space<vmem>>, vector<1x16xf32>,
      %get3A_364 = vector.shape_cast %get3A_363 : vector<1x16xf32> to vector<16xf32>
      %sub3A_365 = arith.subf %get3A_360, %get3A_364 : vector<16xf32>
      %mul3A_366 = arith.mulf %sub3A_365, %sub3A_365 : vector<16xf32>
      %add3A_367 = arith.addf %add3A_350, %mul3A_366 : vector<16xf32>
      %add3A_368 = arith.addf %get3A_364, %sub3A_365 : vector<16xf32>
      %swap3A_369 = arith.index_cast %scan3A_339 : i32 to index
      %swap3A_370 = arith.constant 16 : index
      %swap3A_371 = tpu.vector_load %arg9[%swap3A_369, %swap3A_370] {strides = array<i32>} : memref<576x64xf32, #tpu.memory_space<vmem>>, vector<1x16xf32>,
      %swap3A_372 = vector.shape_cast %swap3A_371 : vector<1x16xf32> to vector<16xf32>
      %swap3A_373 = vector.shape_cast %add3A_368 : vector<16xf32> to vector<1x16xf32>
      tpu.vector_store %arg9[%swap3A_369, %swap3A_370], %swap3A_373 {strides = array<i32>} : memref<576x64xf32, #tpu.memory_space<vmem>>, vector<1x16xf32>,
      %get3A_374 = arith.index_cast %scan3A_339 : i32 to index
      %get3A_375 = arith.constant 32 : index
      %get3A_376 = tpu.vector_load %arg9[%get3A_374, %get3A_375] {strides = array<i32>} : memref<576x64xf32, #tpu.memory_space<vmem>>, vector<1x16xf32>,
      %get3A_377 = vector.shape_cast %get3A_376 : vector<1x16xf32> to vector<16xf32>
      %get3A_378 = arith.index_cast %scan3A_339 : i32 to index
      %get3A_379 = arith.constant 32 : index
      %get3A_380 = tpu.vector_load %arg10[%get3A_378, %get3A_379] {strides = array<i32>} : memref<576x64xf32, #tpu.memory_space<vmem>>, vector<1x16xf32>,
      %get3A_381 = vector.shape_cast %get3A_380 : vector<1x16xf32> to vector<16xf32>
      %sub3A_382 = arith.subf %get3A_377, %get3A_381 : vector<16xf32>
      %mul3A_383 = arith.mulf %sub3A_382, %sub3A_382 : vector<16xf32>
      %add3A_384 = arith.addf %add3A_367, %mul3A_383 : vector<16xf32>
      %add3A_385 = arith.addf %get3A_381, %sub3A_382 : vector<16xf32>
      %swap3A_386 = arith.index_cast %scan3A_339 : i32 to index
      %swap3A_387 = arith.constant 32 : index
      %swap3A_388 = tpu.vector_load %arg9[%swap3A_386, %swap3A_387] {strides = array<i32>} : memref<576x64xf32, #tpu.memory_space<vmem>>, vector<1x16xf32>,
      %swap3A_389 = vector.shape_cast %swap3A_388 : vector<1x16xf32> to vector<16xf32>
      %swap3A_390 = vector.shape_cast %add3A_385 : vector<16xf32> to vector<1x16xf32>
      tpu.vector_store %arg9[%swap3A_386, %swap3A_387], %swap3A_390 {strides = array<i32>} : memref<576x64xf32, #tpu.memory_space<vmem>>, vector<1x16xf32>,
      %get3A_391 = arith.index_cast %scan3A_339 : i32 to index
      %get3A_392 = arith.constant 48 : index
      %get3A_393 = tpu.vector_load %arg9[%get3A_391, %get3A_392] {strides = array<i32>} : memref<576x64xf32, #tpu.memory_space<vmem>>, vector<1x16xf32>,
      %get3A_394 = vector.shape_cast %get3A_393 : vector<1x16xf32> to vector<16xf32>
      %get3A_395 = arith.index_cast %scan3A_339 : i32 to index
      %get3A_396 = arith.constant 48 : index
      %get3A_397 = tpu.vector_load %arg10[%get3A_395, %get3A_396] {strides = array<i32>} : memref<576x64xf32, #tpu.memory_space<vmem>>, vector<1x16xf32>,
      %get3A_398 = vector.shape_cast %get3A_397 : vector<1x16xf32> to vector<16xf32>
      %sub3A_399 = arith.subf %get3A_394, %get3A_398 : vector<16xf32>
      %mul3A_400 = arith.mulf %sub3A_399, %sub3A_399 : vector<16xf32>
      %add3A_401 = arith.addf %add3A_384, %mul3A_400 : vector<16xf32>
      %add3A_402 = arith.addf %get3A_398, %sub3A_399 : vector<16xf32>
      %swap3A_403 = arith.index_cast %scan3A_339 : i32 to index
      %swap3A_404 = arith.constant 48 : index
      %swap3A_405 = tpu.vector_load %arg9[%swap3A_403, %swap3A_404] {strides = array<i32>} : memref<576x64xf32, #tpu.memory_space<vmem>>, vector<1x16xf32>,
      %swap3A_406 = vector.shape_cast %swap3A_405 : vector<1x16xf32> to vector<16xf32>
      %swap3A_407 = vector.shape_cast %add3A_402 : vector<16xf32> to vector<1x16xf32>
      tpu.vector_store %arg9[%swap3A_403, %swap3A_404], %swap3A_407 {strides = array<i32>} : memref<576x64xf32, #tpu.memory_space<vmem>>, vector<1x16xf32>,
      %scan3A_408 = arith.constant 2 : i32
      %scan3A_409 = arith.addi %scan3A_270, %scan3A_408 : i32
      %get3A_410 = arith.index_cast %scan3A_409 : i32 to index
      %get3A_411 = arith.constant 0 : index
      %get3A_412 = tpu.vector_load %arg9[%get3A_410, %get3A_411] {strides = array<i32>} : memref<576x64xf32, #tpu.memory_space<vmem>>, vector<1x16xf32>,
      %get3A_413 = vector.shape_cast %get3A_412 : vector<1x16xf32> to vector<16xf32>
      %get3A_414 = arith.index_cast %scan3A_409 : i32 to index
      %get3A_415 = arith.constant 0 : index
      %get3A_416 = tpu.vector_load %arg10[%get3A_414, %get3A_415] {strides = array<i32>} : memref<576x64xf32, #tpu.memory_space<vmem>>, vector<1x16xf32>,
      %get3A_417 = vector.shape_cast %get3A_416 : vector<1x16xf32> to vector<16xf32>
      %sub3A_418 = arith.subf %get3A_413, %get3A_417 : vector<16xf32>
      %mul3A_419 = arith.mulf %sub3A_418, %sub3A_418 : vector<16xf32>
      %add3A_420 = arith.addf %add3A_401, %mul3A_419 : vector<16xf32>
      %add3A_421 = arith.addf %get3A_417, %sub3A_418 : vector<16xf32>
      %swap3A_422 = arith.index_cast %scan3A_409 : i32 to index
      %swap3A_423 = arith.constant 0 : index
      %swap3A_424 = tpu.vector_load %arg9[%swap3A_422, %swap3A_423] {strides = array<i32>} : memref<576x64xf32, #tpu.memory_space<vmem>>, vector<1x16xf32>,
      %swap3A_425 = vector.shape_cast %swap3A_424 : vector<1x16xf32> to vector<16xf32>
      %swap3A_426 = vector.shape_cast %add3A_421 : vector<16xf32> to vector<1x16xf32>
      tpu.vector_store %arg9[%swap3A_422, %swap3A_423], %swap3A_426 {strides = array<i32>} : memref<576x64xf32, #tpu.memory_space<vmem>>, vector<1x16xf32>,
      %get3A_427 = arith.index_cast %scan3A_409 : i32 to index
      %get3A_428 = arith.constant 16 : index
      %get3A_429 = tpu.vector_load %arg9[%get3A_427, %get3A_428] {strides = array<i32>} : memref<576x64xf32, #tpu.memory_space<vmem>>, vector<1x16xf32>,
      %get3A_430 = vector.shape_cast %get3A_429 : vector<1x16xf32> to vector<16xf32>
      %get3A_431 = arith.index_cast %scan3A_409 : i32 to index
      %get3A_432 = arith.constant 16 : index
      %get3A_433 = tpu.vector_load %arg10[%get3A_431, %get3A_432] {strides = array<i32>} : memref<576x64xf32, #tpu.memory_space<vmem>>, vector<1x16xf32>,
      %get3A_434 = vector.shape_cast %get3A_433 : vector<1x16xf32> to vector<16xf32>
      %sub3A_435 = arith.subf %get3A_430, %get3A_434 : vector<16xf32>
      %mul3A_436 = arith.mulf %sub3A_435, %sub3A_435 : vector<16xf32>
      %add3A_437 = arith.addf %add3A_420, %mul3A_436 : vector<16xf32>
      %add3A_438 = arith.addf %get3A_434, %sub3A_435 : vector<16xf32>
      %swap3A_439 = arith.index_cast %scan3A_409 : i32 to index
      %swap3A_440 = arith.constant 16 : index
      %swap3A_441 = tpu.vector_load %arg9[%swap3A_439, %swap3A_440] {strides = array<i32>} : memref<576x64xf32, #tpu.memory_space<vmem>>, vector<1x16xf32>,
      %swap3A_442 = vector.shape_cast %swap3A_441 : vector<1x16xf32> to vector<16xf32>
      %swap3A_443 = vector.shape_cast %add3A_438 : vector<16xf32> to vector<1x16xf32>
      tpu.vector_store %arg9[%swap3A_439, %swap3A_440], %swap3A_443 {strides = array<i32>} : memref<576x64xf32, #tpu.memory_space<vmem>>, vector<1x16xf32>,
      %get3A_444 = arith.index_cast %scan3A_409 : i32 to index
      %get3A_445 = arith.constant 32 : index
      %get3A_446 = tpu.vector_load %arg9[%get3A_444, %get3A_445] {strides = array<i32>} : memref<576x64xf32, #tpu.memory_space<vmem>>, vector<1x16xf32>,
      %get3A_447 = vector.shape_cast %get3A_446 : vector<1x16xf32> to vector<16xf32>
      %get3A_448 = arith.index_cast %scan3A_409 : i32 to index
      %get3A_449 = arith.constant 32 : index
      %get3A_450 = tpu.vector_load %arg10[%get3A_448, %get3A_449] {strides = array<i32>} : memref<576x64xf32, #tpu.memory_space<vmem>>, vector<1x16xf32>,
      %get3A_451 = vector.shape_cast %get3A_450 : vector<1x16xf32> to vector<16xf32>
      %sub3A_452 = arith.subf %get3A_447, %get3A_451 : vector<16xf32>
      %mul3A_453 = arith.mulf %sub3A_452, %sub3A_452 : vector<16xf32>
      %add3A_454 = arith.addf %add3A_437, %mul3A_453 : vector<16xf32>
      %add3A_455 = arith.addf %get3A_451, %sub3A_452 : vector<16xf32>
      %swap3A_456 = arith.index_cast %scan3A_409 : i32 to index
      %swap3A_457 = arith.constant 32 : index
      %swap3A_458 = tpu.vector_load %arg9[%swap3A_456, %swap3A_457] {strides = array<i32>} : memref<576x64xf32, #tpu.memory_space<vmem>>, vector<1x16xf32>,
      %swap3A_459 = vector.shape_cast %swap3A_458 : vector<1x16xf32> to vector<16xf32>
      %swap3A_460 = vector.shape_cast %add3A_455 : vector<16xf32> to vector<1x16xf32>
      tpu.vector_store %arg9[%swap3A_456, %swap3A_457], %swap3A_460 {strides = array<i32>} : memref<576x64xf32, #tpu.memory_space<vmem>>, vector<1x16xf32>,
      %get3A_461 = arith.index_cast %scan3A_409 : i32 to index
      %get3A_462 = arith.constant 48 : index
      %get3A_463 = tpu.vector_load %arg9[%get3A_461, %get3A_462] {strides = array<i32>} : memref<576x64xf32, #tpu.memory_space<vmem>>, vector<1x16xf32>,
      %get3A_464 = vector.shape_cast %get3A_463 : vector<1x16xf32> to vector<16xf32>
      %get3A_465 = arith.index_cast %scan3A_409 : i32 to index
      %get3A_466 = arith.constant 48 : index
      %get3A_467 = tpu.vector_load %arg10[%get3A_465, %get3A_466] {strides = array<i32>} : memref<576x64xf32, #tpu.memory_space<vmem>>, vector<1x16xf32>,
      %get3A_468 = vector.shape_cast %get3A_467 : vector<1x16xf32> to vector<16xf32>
      %sub3A_469 = arith.subf %get3A_464, %get3A_468 : vector<16xf32>
      %mul3A_470 = arith.mulf %sub3A_469, %sub3A_469 : vector<16xf32>
      %add3A_471 = arith.addf %add3A_454, %mul3A_470 : vector<16xf32>
      %add3A_472 = arith.addf %get3A_468, %sub3A_469 : vector<16xf32>
      %swap3A_473 = arith.index_cast %scan3A_409 : i32 to index
      %swap3A_474 = arith.constant 48 : index
      %swap3A_475 = tpu.vector_load %arg9[%swap3A_473, %swap3A_474] {strides = array<i32>} : memref<576x64xf32, #tpu.memory_space<vmem>>, vector<1x16xf32>,
      %swap3A_476 = vector.shape_cast %swap3A_475 : vector<1x16xf32> to vector<16xf32>
      %swap3A_477 = vector.shape_cast %add3A_472 : vector<16xf32> to vector<1x16xf32>
      tpu.vector_store %arg9[%swap3A_473, %swap3A_474], %swap3A_477 {strides = array<i32>} : memref<576x64xf32, #tpu.memory_space<vmem>>, vector<1x16xf32>,
      %scan3A_478 = arith.constant 3 : i32
      %scan3A_479 = arith.addi %scan3A_270, %scan3A_478 : i32
      %get3A_480 = arith.index_cast %scan3A_479 : i32 to index
      %get3A_481 = arith.constant 0 : index
      %get3A_482 = tpu.vector_load %arg9[%get3A_480, %get3A_481] {strides = array<i32>} : memref<576x64xf32, #tpu.memory_space<vmem>>, vector<1x16xf32>,
      %get3A_483 = vector.shape_cast %get3A_482 : vector<1x16xf32> to vector<16xf32>
      %get3A_484 = arith.index_cast %scan3A_479 : i32 to index
      %get3A_485 = arith.constant 0 : index
      %get3A_486 = tpu.vector_load %arg10[%get3A_484, %get3A_485] {strides = array<i32>} : memref<576x64xf32, #tpu.memory_space<vmem>>, vector<1x16xf32>,
      %get3A_487 = vector.shape_cast %get3A_486 : vector<1x16xf32> to vector<16xf32>
      %sub3A_488 = arith.subf %get3A_483, %get3A_487 : vector<16xf32>
      %mul3A_489 = arith.mulf %sub3A_488, %sub3A_488 : vector<16xf32>
      %add3A_490 = arith.addf %add3A_471, %mul3A_489 : vector<16xf32>
      %add3A_491 = arith.addf %get3A_487, %sub3A_488 : vector<16xf32>
      %swap3A_492 = arith.index_cast %scan3A_479 : i32 to index
      %swap3A_493 = arith.constant 0 : index
      %swap3A_494 = tpu.vector_load %arg9[%swap3A_492, %swap3A_493] {strides = array<i32>} : memref<576x64xf32, #tpu.memory_space<vmem>>, vector<1x16xf32>,
      %swap3A_495 = vector.shape_cast %swap3A_494 : vector<1x16xf32> to vector<16xf32>
      %swap3A_496 = vector.shape_cast %add3A_491 : vector<16xf32> to vector<1x16xf32>
      tpu.vector_store %arg9[%swap3A_492, %swap3A_493], %swap3A_496 {strides = array<i32>} : memref<576x64xf32, #tpu.memory_space<vmem>>, vector<1x16xf32>,
      %get3A_497 = arith.index_cast %scan3A_479 : i32 to index
      %get3A_498 = arith.constant 16 : index
      %get3A_499 = tpu.vector_load %arg9[%get3A_497, %get3A_498] {strides = array<i32>} : memref<576x64xf32, #tpu.memory_space<vmem>>, vector<1x16xf32>,
      %get3A_500 = vector.shape_cast %get3A_499 : vector<1x16xf32> to vector<16xf32>
      %get3A_501 = arith.index_cast %scan3A_479 : i32 to index
      %get3A_502 = arith.constant 16 : index
      %get3A_503 = tpu.vector_load %arg10[%get3A_501, %get3A_502] {strides = array<i32>} : memref<576x64xf32, #tpu.memory_space<vmem>>, vector<1x16xf32>,
      %get3A_504 = vector.shape_cast %get3A_503 : vector<1x16xf32> to vector<16xf32>
      %sub3A_505 = arith.subf %get3A_500, %get3A_504 : vector<16xf32>
      %mul3A_506 = arith.mulf %sub3A_505, %sub3A_505 : vector<16xf32>
      %add3A_507 = arith.addf %add3A_490, %mul3A_506 : vector<16xf32>
      %add3A_508 = arith.addf %get3A_504, %sub3A_505 : vector<16xf32>
      %swap3A_509 = arith.index_cast %scan3A_479 : i32 to index
      %swap3A_510 = arith.constant 16 : index
      %swap3A_511 = tpu.vector_load %arg9[%swap3A_509, %swap3A_510] {strides = array<i32>} : memref<576x64xf32, #tpu.memory_space<vmem>>, vector<1x16xf32>,
      %swap3A_512 = vector.shape_cast %swap3A_511 : vector<1x16xf32> to vector<16xf32>
      %swap3A_513 = vector.shape_cast %add3A_508 : vector<16xf32> to vector<1x16xf32>
      tpu.vector_store %arg9[%swap3A_509, %swap3A_510], %swap3A_513 {strides = array<i32>} : memref<576x64xf32, #tpu.memory_space<vmem>>, vector<1x16xf32>,
      %get3A_514 = arith.index_cast %scan3A_479 : i32 to index
      %get3A_515 = arith.constant 32 : index
      %get3A_516 = tpu.vector_load %arg9[%get3A_514, %get3A_515] {strides = array<i32>} : memref<576x64xf32, #tpu.memory_space<vmem>>, vector<1x16xf32>,
      %get3A_517 = vector.shape_cast %get3A_516 : vector<1x16xf32> to vector<16xf32>
      %get3A_518 = arith.index_cast %scan3A_479 : i32 to index
      %get3A_519 = arith.constant 32 : index
      %get3A_520 = tpu.vector_load %arg10[%get3A_518, %get3A_519] {strides = array<i32>} : memref<576x64xf32, #tpu.memory_space<vmem>>, vector<1x16xf32>,
      %get3A_521 = vector.shape_cast %get3A_520 : vector<1x16xf32> to vector<16xf32>
      %sub3A_522 = arith.subf %get3A_517, %get3A_521 : vector<16xf32>
      %mul3A_523 = arith.mulf %sub3A_522, %sub3A_522 : vector<16xf32>
      %add3A_524 = arith.addf %add3A_507, %mul3A_523 : vector<16xf32>
      %add3A_525 = arith.addf %get3A_521, %sub3A_522 : vector<16xf32>
      %swap3A_526 = arith.index_cast %scan3A_479 : i32 to index
      %swap3A_527 = arith.constant 32 : index
      %swap3A_528 = tpu.vector_load %arg9[%swap3A_526, %swap3A_527] {strides = array<i32>} : memref<576x64xf32, #tpu.memory_space<vmem>>, vector<1x16xf32>,
      %swap3A_529 = vector.shape_cast %swap3A_528 : vector<1x16xf32> to vector<16xf32>
      %swap3A_530 = vector.shape_cast %add3A_525 : vector<16xf32> to vector<1x16xf32>
      tpu.vector_store %arg9[%swap3A_526, %swap3A_527], %swap3A_530 {strides = array<i32>} : memref<576x64xf32, #tpu.memory_space<vmem>>, vector<1x16xf32>,
      %get3A_531 = arith.index_cast %scan3A_479 : i32 to index
      %get3A_532 = arith.constant 48 : index
      %get3A_533 = tpu.vector_load %arg9[%get3A_531, %get3A_532] {strides = array<i32>} : memref<576x64xf32, #tpu.memory_space<vmem>>, vector<1x16xf32>,
      %get3A_534 = vector.shape_cast %get3A_533 : vector<1x16xf32> to vector<16xf32>
      %get3A_535 = arith.index_cast %scan3A_479 : i32 to index
      %get3A_536 = arith.constant 48 : index
      %get3A_537 = tpu.vector_load %arg10[%get3A_535, %get3A_536] {strides = array<i32>} : memref<576x64xf32, #tpu.memory_space<vmem>>, vector<1x16xf32>,
      %get3A_538 = vector.shape_cast %get3A_537 : vector<1x16xf32> to vector<16xf32>
      %sub3A_539 = arith.subf %get3A_534, %get3A_538 : vector<16xf32>
      %mul3A_540 = arith.mulf %sub3A_539, %sub3A_539 : vector<16xf32>
      %add3A_541 = arith.addf %add3A_524, %mul3A_540 : vector<16xf32>
      %add3A_542 = arith.addf %get3A_538, %sub3A_539 : vector<16xf32>
      %swap3A_543 = arith.index_cast %scan3A_479 : i32 to index
      %swap3A_544 = arith.constant 48 : index
      %swap3A_545 = tpu.vector_load %arg9[%swap3A_543, %swap3A_544] {strides = array<i32>} : memref<576x64xf32, #tpu.memory_space<vmem>>, vector<1x16xf32>,
      %swap3A_546 = vector.shape_cast %swap3A_545 : vector<1x16xf32> to vector<16xf32>
      %swap3A_547 = vector.shape_cast %add3A_542 : vector<16xf32> to vector<1x16xf32>
      tpu.vector_store %arg9[%swap3A_543, %swap3A_544], %swap3A_547 {strides = array<i32>} : memref<576x64xf32, #tpu.memory_space<vmem>>, vector<1x16xf32>,
      %scan3A_548 = arith.constant 4 : i32
      %scan3A_549 = arith.addi %scan3A_270, %scan3A_548 : i32
      %get3A_550 = arith.index_cast %scan3A_549 : i32 to index
      %get3A_551 = arith.constant 0 : index
      %get3A_552 = tpu.vector_load %arg9[%get3A_550, %get3A_551] {strides = array<i32>} : memref<576x64xf32, #tpu.memory_space<vmem>>, vector<1x16xf32>,
      %get3A_553 = vector.shape_cast %get3A_552 : vector<1x16xf32> to vector<16xf32>
      %get3A_554 = arith.index_cast %scan3A_549 : i32 to index
      %get3A_555 = arith.constant 0 : index
      %get3A_556 = tpu.vector_load %arg10[%get3A_554, %get3A_555] {strides = array<i32>} : memref<576x64xf32, #tpu.memory_space<vmem>>, vector<1x16xf32>,
      %get3A_557 = vector.shape_cast %get3A_556 : vector<1x16xf32> to vector<16xf32>
      %sub3A_558 = arith.subf %get3A_553, %get3A_557 : vector<16xf32>
      %mul3A_559 = arith.mulf %sub3A_558, %sub3A_558 : vector<16xf32>
      %add3A_560 = arith.addf %add3A_541, %mul3A_559 : vector<16xf32>
      %add3A_561 = arith.addf %get3A_557, %sub3A_558 : vector<16xf32>
      %swap3A_562 = arith.index_cast %scan3A_549 : i32 to index
      %swap3A_563 = arith.constant 0 : index
      %swap3A_564 = tpu.vector_load %arg9[%swap3A_562, %swap3A_563] {strides = array<i32>} : memref<576x64xf32, #tpu.memory_space<vmem>>, vector<1x16xf32>,
      %swap3A_565 = vector.shape_cast %swap3A_564 : vector<1x16xf32> to vector<16xf32>
      %swap3A_566 = vector.shape_cast %add3A_561 : vector<16xf32> to vector<1x16xf32>
      tpu.vector_store %arg9[%swap3A_562, %swap3A_563], %swap3A_566 {strides = array<i32>} : memref<576x64xf32, #tpu.memory_space<vmem>>, vector<1x16xf32>,
      %get3A_567 = arith.index_cast %scan3A_549 : i32 to index
      %get3A_568 = arith.constant 16 : index
      %get3A_569 = tpu.vector_load %arg9[%get3A_567, %get3A_568] {strides = array<i32>} : memref<576x64xf32, #tpu.memory_space<vmem>>, vector<1x16xf32>,
      %get3A_570 = vector.shape_cast %get3A_569 : vector<1x16xf32> to vector<16xf32>
      %get3A_571 = arith.index_cast %scan3A_549 : i32 to index
      %get3A_572 = arith.constant 16 : index
      %get3A_573 = tpu.vector_load %arg10[%get3A_571, %get3A_572] {strides = array<i32>} : memref<576x64xf32, #tpu.memory_space<vmem>>, vector<1x16xf32>,
      %get3A_574 = vector.shape_cast %get3A_573 : vector<1x16xf32> to vector<16xf32>
      %sub3A_575 = arith.subf %get3A_570, %get3A_574 : vector<16xf32>
      %mul3A_576 = arith.mulf %sub3A_575, %sub3A_575 : vector<16xf32>
      %add3A_577 = arith.addf %add3A_560, %mul3A_576 : vector<16xf32>
      %add3A_578 = arith.addf %get3A_574, %sub3A_575 : vector<16xf32>
      %swap3A_579 = arith.index_cast %scan3A_549 : i32 to index
      %swap3A_580 = arith.constant 16 : index
      %swap3A_581 = tpu.vector_load %arg9[%swap3A_579, %swap3A_580] {strides = array<i32>} : memref<576x64xf32, #tpu.memory_space<vmem>>, vector<1x16xf32>,
      %swap3A_582 = vector.shape_cast %swap3A_581 : vector<1x16xf32> to vector<16xf32>
      %swap3A_583 = vector.shape_cast %add3A_578 : vector<16xf32> to vector<1x16xf32>
      tpu.vector_store %arg9[%swap3A_579, %swap3A_580], %swap3A_583 {strides = array<i32>} : memref<576x64xf32, #tpu.memory_space<vmem>>, vector<1x16xf32>,
      %get3A_584 = arith.index_cast %scan3A_549 : i32 to index
      %get3A_585 = arith.constant 32 : index
      %get3A_586 = tpu.vector_load %arg9[%get3A_584, %get3A_585] {strides = array<i32>} : memref<576x64xf32, #tpu.memory_space<vmem>>, vector<1x16xf32>,
      %get3A_587 = vector.shape_cast %get3A_586 : vector<1x16xf32> to vector<16xf32>
      %get3A_588 = arith.index_cast %scan3A_549 : i32 to index
      %get3A_589 = arith.constant 32 : index
      %get3A_590 = tpu.vector_load %arg10[%get3A_588, %get3A_589] {strides = array<i32>} : memref<576x64xf32, #tpu.memory_space<vmem>>, vector<1x16xf32>,
      %get3A_591 = vector.shape_cast %get3A_590 : vector<1x16xf32> to vector<16xf32>
      %sub3A_592 = arith.subf %get3A_587, %get3A_591 : vector<16xf32>
      %mul3A_593 = arith.mulf %sub3A_592, %sub3A_592 : vector<16xf32>
      %add3A_594 = arith.addf %add3A_577, %mul3A_593 : vector<16xf32>
      %add3A_595 = arith.addf %get3A_591, %sub3A_592 : vector<16xf32>
      %swap3A_596 = arith.index_cast %scan3A_549 : i32 to index
      %swap3A_597 = arith.constant 32 : index
      %swap3A_598 = tpu.vector_load %arg9[%swap3A_596, %swap3A_597] {strides = array<i32>} : memref<576x64xf32, #tpu.memory_space<vmem>>, vector<1x16xf32>,
      %swap3A_599 = vector.shape_cast %swap3A_598 : vector<1x16xf32> to vector<16xf32>
      %swap3A_600 = vector.shape_cast %add3A_595 : vector<16xf32> to vector<1x16xf32>
      tpu.vector_store %arg9[%swap3A_596, %swap3A_597], %swap3A_600 {strides = array<i32>} : memref<576x64xf32, #tpu.memory_space<vmem>>, vector<1x16xf32>,
      %get3A_601 = arith.index_cast %scan3A_549 : i32 to index
      %get3A_602 = arith.constant 48 : index
      %get3A_603 = tpu.vector_load %arg9[%get3A_601, %get3A_602] {strides = array<i32>} : memref<576x64xf32, #tpu.memory_space<vmem>>, vector<1x16xf32>,
      %get3A_604 = vector.shape_cast %get3A_603 : vector<1x16xf32> to vector<16xf32>
      %get3A_605 = arith.index_cast %scan3A_549 : i32 to index
      %get3A_606 = arith.constant 48 : index
      %get3A_607 = tpu.vector_load %arg10[%get3A_605, %get3A_606] {strides = array<i32>} : memref<576x64xf32, #tpu.memory_space<vmem>>, vector<1x16xf32>,
      %get3A_608 = vector.shape_cast %get3A_607 : vector<1x16xf32> to vector<16xf32>
      %sub3A_609 = arith.subf %get3A_604, %get3A_608 : vector<16xf32>
      %mul3A_610 = arith.mulf %sub3A_609, %sub3A_609 : vector<16xf32>
      %add3A_611 = arith.addf %add3A_594, %mul3A_610 : vector<16xf32>
      %add3A_612 = arith.addf %get3A_608, %sub3A_609 : vector<16xf32>
      %swap3A_613 = arith.index_cast %scan3A_549 : i32 to index
      %swap3A_614 = arith.constant 48 : index
      %swap3A_615 = tpu.vector_load %arg9[%swap3A_613, %swap3A_614] {strides = array<i32>} : memref<576x64xf32, #tpu.memory_space<vmem>>, vector<1x16xf32>,
      %swap3A_616 = vector.shape_cast %swap3A_615 : vector<1x16xf32> to vector<16xf32>
      %swap3A_617 = vector.shape_cast %add3A_612 : vector<16xf32> to vector<1x16xf32>
      tpu.vector_store %arg9[%swap3A_613, %swap3A_614], %swap3A_617 {strides = array<i32>} : memref<576x64xf32, #tpu.memory_space<vmem>>, vector<1x16xf32>,
      %scan3A_618 = arith.constant 5 : i32
      %scan3A_619 = arith.addi %scan3A_270, %scan3A_618 : i32
      %get3A_620 = arith.index_cast %scan3A_619 : i32 to index
      %get3A_621 = arith.constant 0 : index
      %get3A_622 = tpu.vector_load %arg9[%get3A_620, %get3A_621] {strides = array<i32>} : memref<576x64xf32, #tpu.memory_space<vmem>>, vector<1x16xf32>,
      %get3A_623 = vector.shape_cast %get3A_622 : vector<1x16xf32> to vector<16xf32>
      %get3A_624 = arith.index_cast %scan3A_619 : i32 to index
      %get3A_625 = arith.constant 0 : index
      %get3A_626 = tpu.vector_load %arg10[%get3A_624, %get3A_625] {strides = array<i32>} : memref<576x64xf32, #tpu.memory_space<vmem>>, vector<1x16xf32>,
      %get3A_627 = vector.shape_cast %get3A_626 : vector<1x16xf32> to vector<16xf32>
      %sub3A_628 = arith.subf %get3A_623, %get3A_627 : vector<16xf32>
      %mul3A_629 = arith.mulf %sub3A_628, %sub3A_628 : vector<16xf32>
      %add3A_630 = arith.addf %add3A_611, %mul3A_629 : vector<16xf32>
      %add3A_631 = arith.addf %get3A_627, %sub3A_628 : vector<16xf32>
      %swap3A_632 = arith.index_cast %scan3A_619 : i32 to index
      %swap3A_633 = arith.constant 0 : index
      %swap3A_634 = tpu.vector_load %arg9[%swap3A_632, %swap3A_633] {strides = array<i32>} : memref<576x64xf32, #tpu.memory_space<vmem>>, vector<1x16xf32>,
      %swap3A_635 = vector.shape_cast %swap3A_634 : vector<1x16xf32> to vector<16xf32>
      %swap3A_636 = vector.shape_cast %add3A_631 : vector<16xf32> to vector<1x16xf32>
      tpu.vector_store %arg9[%swap3A_632, %swap3A_633], %swap3A_636 {strides = array<i32>} : memref<576x64xf32, #tpu.memory_space<vmem>>, vector<1x16xf32>,
      %get3A_637 = arith.index_cast %scan3A_619 : i32 to index
      %get3A_638 = arith.constant 16 : index
      %get3A_639 = tpu.vector_load %arg9[%get3A_637, %get3A_638] {strides = array<i32>} : memref<576x64xf32, #tpu.memory_space<vmem>>, vector<1x16xf32>,
      %get3A_640 = vector.shape_cast %get3A_639 : vector<1x16xf32> to vector<16xf32>
      %get3A_641 = arith.index_cast %scan3A_619 : i32 to index
      %get3A_642 = arith.constant 16 : index
      %get3A_643 = tpu.vector_load %arg10[%get3A_641, %get3A_642] {strides = array<i32>} : memref<576x64xf32, #tpu.memory_space<vmem>>, vector<1x16xf32>,
      %get3A_644 = vector.shape_cast %get3A_643 : vector<1x16xf32> to vector<16xf32>
      %sub3A_645 = arith.subf %get3A_640, %get3A_644 : vector<16xf32>
      %mul3A_646 = arith.mulf %sub3A_645, %sub3A_645 : vector<16xf32>
      %add3A_647 = arith.addf %add3A_630, %mul3A_646 : vector<16xf32>
      %add3A_648 = arith.addf %get3A_644, %sub3A_645 : vector<16xf32>
      %swap3A_649 = arith.index_cast %scan3A_619 : i32 to index
      %swap3A_650 = arith.constant 16 : index
      %swap3A_651 = tpu.vector_load %arg9[%swap3A_649, %swap3A_650] {strides = array<i32>} : memref<576x64xf32, #tpu.memory_space<vmem>>, vector<1x16xf32>,
      %swap3A_652 = vector.shape_cast %swap3A_651 : vector<1x16xf32> to vector<16xf32>
      %swap3A_653 = vector.shape_cast %add3A_648 : vector<16xf32> to vector<1x16xf32>
      tpu.vector_store %arg9[%swap3A_649, %swap3A_650], %swap3A_653 {strides = array<i32>} : memref<576x64xf32, #tpu.memory_space<vmem>>, vector<1x16xf32>,
      %get3A_654 = arith.index_cast %scan3A_619 : i32 to index
      %get3A_655 = arith.constant 32 : index
      %get3A_656 = tpu.vector_load %arg9[%get3A_654, %get3A_655] {strides = array<i32>} : memref<576x64xf32, #tpu.memory_space<vmem>>, vector<1x16xf32>,
      %get3A_657 = vector.shape_cast %get3A_656 : vector<1x16xf32> to vector<16xf32>
      %get3A_658 = arith.index_cast %scan3A_619 : i32 to index
      %get3A_659 = arith.constant 32 : index
      %get3A_660 = tpu.vector_load %arg10[%get3A_658, %get3A_659] {strides = array<i32>} : memref<576x64xf32, #tpu.memory_space<vmem>>, vector<1x16xf32>,
      %get3A_661 = vector.shape_cast %get3A_660 : vector<1x16xf32> to vector<16xf32>
      %sub3A_662 = arith.subf %get3A_657, %get3A_661 : vector<16xf32>
      %mul3A_663 = arith.mulf %sub3A_662, %sub3A_662 : vector<16xf32>
      %add3A_664 = arith.addf %add3A_647, %mul3A_663 : vector<16xf32>
      %add3A_665 = arith.addf %get3A_661, %sub3A_662 : vector<16xf32>
      %swap3A_666 = arith.index_cast %scan3A_619 : i32 to index
      %swap3A_667 = arith.constant 32 : index
      %swap3A_668 = tpu.vector_load %arg9[%swap3A_666, %swap3A_667] {strides = array<i32>} : memref<576x64xf32, #tpu.memory_space<vmem>>, vector<1x16xf32>,
      %swap3A_669 = vector.shape_cast %swap3A_668 : vector<1x16xf32> to vector<16xf32>
      %swap3A_670 = vector.shape_cast %add3A_665 : vector<16xf32> to vector<1x16xf32>
      tpu.vector_store %arg9[%swap3A_666, %swap3A_667], %swap3A_670 {strides = array<i32>} : memref<576x64xf32, #tpu.memory_space<vmem>>, vector<1x16xf32>,
      %get3A_671 = arith.index_cast %scan3A_619 : i32 to index
      %get3A_672 = arith.constant 48 : index
      %get3A_673 = tpu.vector_load %arg9[%get3A_671, %get3A_672] {strides = array<i32>} : memref<576x64xf32, #tpu.memory_space<vmem>>, vector<1x16xf32>,
      %get3A_674 = vector.shape_cast %get3A_673 : vector<1x16xf32> to vector<16xf32>
      %get3A_675 = arith.index_cast %scan3A_619 : i32 to index
      %get3A_676 = arith.constant 48 : index
      %get3A_677 = tpu.vector_load %arg10[%get3A_675, %get3A_676] {strides = array<i32>} : memref<576x64xf32, #tpu.memory_space<vmem>>, vector<1x16xf32>,
      %get3A_678 = vector.shape_cast %get3A_677 : vector<1x16xf32> to vector<16xf32>
      %sub3A_679 = arith.subf %get3A_674, %get3A_678 : vector<16xf32>
      %mul3A_680 = arith.mulf %sub3A_679, %sub3A_679 : vector<16xf32>
      %add3A_681 = arith.addf %add3A_664, %mul3A_680 : vector<16xf32>
      %add3A_682 = arith.addf %get3A_678, %sub3A_679 : vector<16xf32>
      %swap3A_683 = arith.index_cast %scan3A_619 : i32 to index
      %swap3A_684 = arith.constant 48 : index
      %swap3A_685 = tpu.vector_load %arg9[%swap3A_683, %swap3A_684] {strides = array<i32>} : memref<576x64xf32, #tpu.memory_space<vmem>>, vector<1x16xf32>,
      %swap3A_686 = vector.shape_cast %swap3A_685 : vector<1x16xf32> to vector<16xf32>
      %swap3A_687 = vector.shape_cast %add3A_682 : vector<16xf32> to vector<1x16xf32>
      tpu.vector_store %arg9[%swap3A_683, %swap3A_684], %swap3A_687 {strides = array<i32>} : memref<576x64xf32, #tpu.memory_space<vmem>>, vector<1x16xf32>,
      %scan3A_688 = arith.constant 6 : i32
      %scan3A_689 = arith.addi %scan3A_270, %scan3A_688 : i32
      %get3A_690 = arith.index_cast %scan3A_689 : i32 to index
      %get3A_691 = arith.constant 0 : index
      %get3A_692 = tpu.vector_load %arg9[%get3A_690, %get3A_691] {strides = array<i32>} : memref<576x64xf32, #tpu.memory_space<vmem>>, vector<1x16xf32>,
      %get3A_693 = vector.shape_cast %get3A_692 : vector<1x16xf32> to vector<16xf32>
      %get3A_694 = arith.index_cast %scan3A_689 : i32 to index
      %get3A_695 = arith.constant 0 : index
      %get3A_696 = tpu.vector_load %arg10[%get3A_694, %get3A_695] {strides = array<i32>} : memref<576x64xf32, #tpu.memory_space<vmem>>, vector<1x16xf32>,
      %get3A_697 = vector.shape_cast %get3A_696 : vector<1x16xf32> to vector<16xf32>
      %sub3A_698 = arith.subf %get3A_693, %get3A_697 : vector<16xf32>
      %mul3A_699 = arith.mulf %sub3A_698, %sub3A_698 : vector<16xf32>
      %add3A_700 = arith.addf %add3A_681, %mul3A_699 : vector<16xf32>
      %add3A_701 = arith.addf %get3A_697, %sub3A_698 : vector<16xf32>
      %swap3A_702 = arith.index_cast %scan3A_689 : i32 to index
      %swap3A_703 = arith.constant 0 : index
      %swap3A_704 = tpu.vector_load %arg9[%swap3A_702, %swap3A_703] {strides = array<i32>} : memref<576x64xf32, #tpu.memory_space<vmem>>, vector<1x16xf32>,
      %swap3A_705 = vector.shape_cast %swap3A_704 : vector<1x16xf32> to vector<16xf32>
      %swap3A_706 = vector.shape_cast %add3A_701 : vector<16xf32> to vector<1x16xf32>
      tpu.vector_store %arg9[%swap3A_702, %swap3A_703], %swap3A_706 {strides = array<i32>} : memref<576x64xf32, #tpu.memory_space<vmem>>, vector<1x16xf32>,
      %get3A_707 = arith.index_cast %scan3A_689 : i32 to index
      %get3A_708 = arith.constant 16 : index
      %get3A_709 = tpu.vector_load %arg9[%get3A_707, %get3A_708] {strides = array<i32>} : memref<576x64xf32, #tpu.memory_space<vmem>>, vector<1x16xf32>,
      %get3A_710 = vector.shape_cast %get3A_709 : vector<1x16xf32> to vector<16xf32>
      %get3A_711 = arith.index_cast %scan3A_689 : i32 to index
      %get3A_712 = arith.constant 16 : index
      %get3A_713 = tpu.vector_load %arg10[%get3A_711, %get3A_712] {strides = array<i32>} : memref<576x64xf32, #tpu.memory_space<vmem>>, vector<1x16xf32>,
      %get3A_714 = vector.shape_cast %get3A_713 : vector<1x16xf32> to vector<16xf32>
      %sub3A_715 = arith.subf %get3A_710, %get3A_714 : vector<16xf32>
      %mul3A_716 = arith.mulf %sub3A_715, %sub3A_715 : vector<16xf32>
      %add3A_717 = arith.addf %add3A_700, %mul3A_716 : vector<16xf32>
      %add3A_718 = arith.addf %get3A_714, %sub3A_715 : vector<16xf32>
      %swap3A_719 = arith.index_cast %scan3A_689 : i32 to index
      %swap3A_720 = arith.constant 16 : index
      %swap3A_721 = tpu.vector_load %arg9[%swap3A_719, %swap3A_720] {strides = array<i32>} : memref<576x64xf32, #tpu.memory_space<vmem>>, vector<1x16xf32>,
      %swap3A_722 = vector.shape_cast %swap3A_721 : vector<1x16xf32> to vector<16xf32>
      %swap3A_723 = vector.shape_cast %add3A_718 : vector<16xf32> to vector<1x16xf32>
      tpu.vector_store %arg9[%swap3A_719, %swap3A_720], %swap3A_723 {strides = array<i32>} : memref<576x64xf32, #tpu.memory_space<vmem>>, vector<1x16xf32>,
      %get3A_724 = arith.index_cast %scan3A_689 : i32 to index
      %get3A_725 = arith.constant 32 : index
      %get3A_726 = tpu.vector_load %arg9[%get3A_724, %get3A_725] {strides = array<i32>} : memref<576x64xf32, #tpu.memory_space<vmem>>, vector<1x16xf32>,
      %get3A_727 = vector.shape_cast %get3A_726 : vector<1x16xf32> to vector<16xf32>
      %get3A_728 = arith.index_cast %scan3A_689 : i32 to index
      %get3A_729 = arith.constant 32 : index
      %get3A_730 = tpu.vector_load %arg10[%get3A_728, %get3A_729] {strides = array<i32>} : memref<576x64xf32, #tpu.memory_space<vmem>>, vector<1x16xf32>,
      %get3A_731 = vector.shape_cast %get3A_730 : vector<1x16xf32> to vector<16xf32>
      %sub3A_732 = arith.subf %get3A_727, %get3A_731 : vector<16xf32>
      %mul3A_733 = arith.mulf %sub3A_732, %sub3A_732 : vector<16xf32>
      %add3A_734 = arith.addf %add3A_717, %mul3A_733 : vector<16xf32>
      %add3A_735 = arith.addf %get3A_731, %sub3A_732 : vector<16xf32>
      %swap3A_736 = arith.index_cast %scan3A_689 : i32 to index
      %swap3A_737 = arith.constant 32 : index
      %swap3A_738 = tpu.vector_load %arg9[%swap3A_736, %swap3A_737] {strides = array<i32>} : memref<576x64xf32, #tpu.memory_space<vmem>>, vector<1x16xf32>,
      %swap3A_739 = vector.shape_cast %swap3A_738 : vector<1x16xf32> to vector<16xf32>
      %swap3A_740 = vector.shape_cast %add3A_735 : vector<16xf32> to vector<1x16xf32>
      tpu.vector_store %arg9[%swap3A_736, %swap3A_737], %swap3A_740 {strides = array<i32>} : memref<576x64xf32, #tpu.memory_space<vmem>>, vector<1x16xf32>,
      %get3A_741 = arith.index_cast %scan3A_689 : i32 to index
      %get3A_742 = arith.constant 48 : index
      %get3A_743 = tpu.vector_load %arg9[%get3A_741, %get3A_742] {strides = array<i32>} : memref<576x64xf32, #tpu.memory_space<vmem>>, vector<1x16xf32>,
      %get3A_744 = vector.shape_cast %get3A_743 : vector<1x16xf32> to vector<16xf32>
      %get3A_745 = arith.index_cast %scan3A_689 : i32 to index
      %get3A_746 = arith.constant 48 : index
      %get3A_747 = tpu.vector_load %arg10[%get3A_745, %get3A_746] {strides = array<i32>} : memref<576x64xf32, #tpu.memory_space<vmem>>, vector<1x16xf32>,
      %get3A_748 = vector.shape_cast %get3A_747 : vector<1x16xf32> to vector<16xf32>
      %sub3A_749 = arith.subf %get3A_744, %get3A_748 : vector<16xf32>
      %mul3A_750 = arith.mulf %sub3A_749, %sub3A_749 : vector<16xf32>
      %add3A_751 = arith.addf %add3A_734, %mul3A_750 : vector<16xf32>
      %add3A_752 = arith.addf %get3A_748, %sub3A_749 : vector<16xf32>
      %swap3A_753 = arith.index_cast %scan3A_689 : i32 to index
      %swap3A_754 = arith.constant 48 : index
      %swap3A_755 = tpu.vector_load %arg9[%swap3A_753, %swap3A_754] {strides = array<i32>} : memref<576x64xf32, #tpu.memory_space<vmem>>, vector<1x16xf32>,
      %swap3A_756 = vector.shape_cast %swap3A_755 : vector<1x16xf32> to vector<16xf32>
      %swap3A_757 = vector.shape_cast %add3A_752 : vector<16xf32> to vector<1x16xf32>
      tpu.vector_store %arg9[%swap3A_753, %swap3A_754], %swap3A_757 {strides = array<i32>} : memref<576x64xf32, #tpu.memory_space<vmem>>, vector<1x16xf32>,
      %scan3A_758 = arith.constant 7 : i32
      %scan3A_759 = arith.addi %scan3A_270, %scan3A_758 : i32
      %get3A_760 = arith.index_cast %scan3A_759 : i32 to index
      %get3A_761 = arith.constant 0 : index
      %get3A_762 = tpu.vector_load %arg9[%get3A_760, %get3A_761] {strides = array<i32>} : memref<576x64xf32, #tpu.memory_space<vmem>>, vector<1x16xf32>,
      %get3A_763 = vector.shape_cast %get3A_762 : vector<1x16xf32> to vector<16xf32>
      %get3A_764 = arith.index_cast %scan3A_759 : i32 to index
      %get3A_765 = arith.constant 0 : index
      %get3A_766 = tpu.vector_load %arg10[%get3A_764, %get3A_765] {strides = array<i32>} : memref<576x64xf32, #tpu.memory_space<vmem>>, vector<1x16xf32>,
      %get3A_767 = vector.shape_cast %get3A_766 : vector<1x16xf32> to vector<16xf32>
      %sub3A_768 = arith.subf %get3A_763, %get3A_767 : vector<16xf32>
      %mul3A_769 = arith.mulf %sub3A_768, %sub3A_768 : vector<16xf32>
      %add3A_770 = arith.addf %add3A_751, %mul3A_769 : vector<16xf32>
      %add3A_771 = arith.addf %get3A_767, %sub3A_768 : vector<16xf32>
      %swap3A_772 = arith.index_cast %scan3A_759 : i32 to index
      %swap3A_773 = arith.constant 0 : index
      %swap3A_774 = tpu.vector_load %arg9[%swap3A_772, %swap3A_773] {strides = array<i32>} : memref<576x64xf32, #tpu.memory_space<vmem>>, vector<1x16xf32>,
      %swap3A_775 = vector.shape_cast %swap3A_774 : vector<1x16xf32> to vector<16xf32>
      %swap3A_776 = vector.shape_cast %add3A_771 : vector<16xf32> to vector<1x16xf32>
      tpu.vector_store %arg9[%swap3A_772, %swap3A_773], %swap3A_776 {strides = array<i32>} : memref<576x64xf32, #tpu.memory_space<vmem>>, vector<1x16xf32>,
      %get3A_777 = arith.index_cast %scan3A_759 : i32 to index
      %get3A_778 = arith.constant 16 : index
      %get3A_779 = tpu.vector_load %arg9[%get3A_777, %get3A_778] {strides = array<i32>} : memref<576x64xf32, #tpu.memory_space<vmem>>, vector<1x16xf32>,
      %get3A_780 = vector.shape_cast %get3A_779 : vector<1x16xf32> to vector<16xf32>
      %get3A_781 = arith.index_cast %scan3A_759 : i32 to index
      %get3A_782 = arith.constant 16 : index
      %get3A_783 = tpu.vector_load %arg10[%get3A_781, %get3A_782] {strides = array<i32>} : memref<576x64xf32, #tpu.memory_space<vmem>>, vector<1x16xf32>,
      %get3A_784 = vector.shape_cast %get3A_783 : vector<1x16xf32> to vector<16xf32>
      %sub3A_785 = arith.subf %get3A_780, %get3A_784 : vector<16xf32>
      %mul3A_786 = arith.mulf %sub3A_785, %sub3A_785 : vector<16xf32>
      %add3A_787 = arith.addf %add3A_770, %mul3A_786 : vector<16xf32>
      %add3A_788 = arith.addf %get3A_784, %sub3A_785 : vector<16xf32>
      %swap3A_789 = arith.index_cast %scan3A_759 : i32 to index
      %swap3A_790 = arith.constant 16 : index
      %swap3A_791 = tpu.vector_load %arg9[%swap3A_789, %swap3A_790] {strides = array<i32>} : memref<576x64xf32, #tpu.memory_space<vmem>>, vector<1x16xf32>,
      %swap3A_792 = vector.shape_cast %swap3A_791 : vector<1x16xf32> to vector<16xf32>
      %swap3A_793 = vector.shape_cast %add3A_788 : vector<16xf32> to vector<1x16xf32>
      tpu.vector_store %arg9[%swap3A_789, %swap3A_790], %swap3A_793 {strides = array<i32>} : memref<576x64xf32, #tpu.memory_space<vmem>>, vector<1x16xf32>,
      %get3A_794 = arith.index_cast %scan3A_759 : i32 to index
      %get3A_795 = arith.constant 32 : index
      %get3A_796 = tpu.vector_load %arg9[%get3A_794, %get3A_795] {strides = array<i32>} : memref<576x64xf32, #tpu.memory_space<vmem>>, vector<1x16xf32>,
      %get3A_797 = vector.shape_cast %get3A_796 : vector<1x16xf32> to vector<16xf32>
      %get3A_798 = arith.index_cast %scan3A_759 : i32 to index
      %get3A_799 = arith.constant 32 : index
      %get3A_800 = tpu.vector_load %arg10[%get3A_798, %get3A_799] {strides = array<i32>} : memref<576x64xf32, #tpu.memory_space<vmem>>, vector<1x16xf32>,
      %get3A_801 = vector.shape_cast %get3A_800 : vector<1x16xf32> to vector<16xf32>
      %sub3A_802 = arith.subf %get3A_797, %get3A_801 : vector<16xf32>
      %mul3A_803 = arith.mulf %sub3A_802, %sub3A_802 : vector<16xf32>
      %add3A_804 = arith.addf %add3A_787, %mul3A_803 : vector<16xf32>
      %add3A_805 = arith.addf %get3A_801, %sub3A_802 : vector<16xf32>
      %swap3A_806 = arith.index_cast %scan3A_759 : i32 to index
      %swap3A_807 = arith.constant 32 : index
      %swap3A_808 = tpu.vector_load %arg9[%swap3A_806, %swap3A_807] {strides = array<i32>} : memref<576x64xf32, #tpu.memory_space<vmem>>, vector<1x16xf32>,
      %swap3A_809 = vector.shape_cast %swap3A_808 : vector<1x16xf32> to vector<16xf32>
      %swap3A_810 = vector.shape_cast %add3A_805 : vector<16xf32> to vector<1x16xf32>
      tpu.vector_store %arg9[%swap3A_806, %swap3A_807], %swap3A_810 {strides = array<i32>} : memref<576x64xf32, #tpu.memory_space<vmem>>, vector<1x16xf32>,
      %get3A_811 = arith.index_cast %scan3A_759 : i32 to index
      %get3A_812 = arith.constant 48 : index
      %get3A_813 = tpu.vector_load %arg9[%get3A_811, %get3A_812] {strides = array<i32>} : memref<576x64xf32, #tpu.memory_space<vmem>>, vector<1x16xf32>,
      %get3A_814 = vector.shape_cast %get3A_813 : vector<1x16xf32> to vector<16xf32>
      %get3A_815 = arith.index_cast %scan3A_759 : i32 to index
      %get3A_816 = arith.constant 48 : index
      %get3A_817 = tpu.vector_load %arg10[%get3A_815, %get3A_816] {strides = array<i32>} : memref<576x64xf32, #tpu.memory_space<vmem>>, vector<1x16xf32>,
      %get3A_818 = vector.shape_cast %get3A_817 : vector<1x16xf32> to vector<16xf32>
      %sub3A_819 = arith.subf %get3A_814, %get3A_818 : vector<16xf32>
      %mul3A_820 = arith.mulf %sub3A_819, %sub3A_819 : vector<16xf32>
      %add3A_821 = arith.addf %add3A_804, %mul3A_820 : vector<16xf32>
      %add3A_822 = arith.addf %get3A_818, %sub3A_819 : vector<16xf32>
      %swap3A_823 = arith.index_cast %scan3A_759 : i32 to index
      %swap3A_824 = arith.constant 48 : index
      %swap3A_825 = tpu.vector_load %arg9[%swap3A_823, %swap3A_824] {strides = array<i32>} : memref<576x64xf32, #tpu.memory_space<vmem>>, vector<1x16xf32>,
      %swap3A_826 = vector.shape_cast %swap3A_825 : vector<1x16xf32> to vector<16xf32>
      %swap3A_827 = vector.shape_cast %add3A_822 : vector<16xf32> to vector<1x16xf32>
      tpu.vector_store %arg9[%swap3A_823, %swap3A_824], %swap3A_827 {strides = array<i32>} : memref<576x64xf32, #tpu.memory_space<vmem>>, vector<1x16xf32>,
      scf.yield %add3A_821 : vector<16xf32>
    }
    %scan3A_259 = arith.constant 576 : i32
    %swap3A_260 = arith.constant 0 : index
    %swap3A_261 = tpu.vector_load %arg12[%swap3A_260] {strides = array<i32>} : memref<16xf32, #tpu.memory_space<vmem>>, vector<16xf32>,
    %swap3A_262 = vector.shape_cast %swap3A_261 : vector<16xf32> to vector<16xf32>
    %swap3A_263 = vector.shape_cast %scan3A_258 : vector<16xf32> to vector<16xf32>
    tpu.vector_store %arg12[%swap3A_260], %swap3A_263 {strides = array<i32>} : memref<16xf32, #tpu.memory_space<vmem>>, vector<16xf32>,
    "tpu.region"() ({
      %run_scoped3A_270 = tpu.sem_alloc : memref<!tpu.dma_semaphore, #tpu.memory_space<semaphore_mem>>
      %dma_start3A_271 = arith.constant 0 : i32
      %dma_start3A_272 = tpu.memref_slice %arg5[%mul3A_2, %dma_start3A_271] : memref<18432x64xf32, #tpu.memory_space<hbm>> -> memref<576x64xf32, #tpu.memory_space<hbm>>
      %dma_start3A_273 = arith.constant 0 : i32
      %dma_start3A_274 = tpu.memref_slice %arg5[%mul3A_2, %dma_start3A_273] : memref<18432x64xf32, #tpu.memory_space<hbm>> -> memref<576x64xf32, #tpu.memory_space<hbm>>
      tpu.enqueue_dma source(%arg9 : memref<576x64xf32, #tpu.memory_space<vmem>>) target(%dma_start3A_274 : memref<576x64xf32, #tpu.memory_space<hbm>>) target_semaphore(%run_scoped3A_270 : memref<!tpu.dma_semaphore, #tpu.memory_space<semaphore_mem>>)
      %dma_wait3A_275 = arith.constant 0 : i32
      %dma_wait3A_276 = tpu.memref_slice %arg5[%mul3A_2, %dma_wait3A_275] : memref<18432x64xf32, #tpu.memory_space<hbm>> -> memref<576x64xf32, #tpu.memory_space<hbm>>
      %dma_wait3A_277 = arith.constant 0 : i32
      %dma_wait3A_278 = tpu.memref_slice %arg5[%mul3A_2, %dma_wait3A_277] : memref<18432x64xf32, #tpu.memory_space<hbm>> -> memref<576x64xf32, #tpu.memory_space<hbm>>
      tpu.wait_dma2 semaphore(%run_scoped3A_270 : memref<!tpu.dma_semaphore, #tpu.memory_space<semaphore_mem>>) src(%arg9 : memref<576x64xf32, #tpu.memory_space<vmem>>) dst(%dma_wait3A_278 : memref<576x64xf32, #tpu.memory_space<hbm>>)
      tpu.yield
    }) : () -> ()
    "tpu.region"() ({
      %run_scoped3A_270 = tpu.sem_alloc : memref<!tpu.dma_semaphore, #tpu.memory_space<semaphore_mem>>
      %dma_start3A_271 = arith.constant 0 : i32
      %dma_start3A_272 = tpu.memref_slice %arg7[%add3A, %dma_start3A_271] : memref<32x16xf32, #tpu.memory_space<hbm>> -> memref<1x16xf32, #tpu.memory_space<hbm>>
      %dma_start3A_273 = tpu.memref_squeeze %dma_start3A_272 : memref<1x16xf32, #tpu.memory_space<hbm>> -> memref<16xf32, #tpu.memory_space<hbm>>
      %dma_start3A_274 = arith.constant 0 : i32
      %dma_start3A_275 = tpu.memref_slice %arg7[%add3A, %dma_start3A_274] : memref<32x16xf32, #tpu.memory_space<hbm>> -> memref<1x16xf32, #tpu.memory_space<hbm>>
      %dma_start3A_276 = tpu.memref_squeeze %dma_start3A_275 : memref<1x16xf32, #tpu.memory_space<hbm>> -> memref<16xf32, #tpu.memory_space<hbm>>
      tpu.enqueue_dma source(%arg12 : memref<16xf32, #tpu.memory_space<vmem>>) target(%dma_start3A_276 : memref<16xf32, #tpu.memory_space<hbm>>) target_semaphore(%run_scoped3A_270 : memref<!tpu.dma_semaphore, #tpu.memory_space<semaphore_mem>>)
      %dma_wait3A_277 = arith.constant 0 : i32
      %dma_wait3A_278 = tpu.memref_slice %arg7[%add3A, %dma_wait3A_277] : memref<32x16xf32, #tpu.memory_space<hbm>> -> memref<1x16xf32, #tpu.memory_space<hbm>>
      %dma_wait3A_279 = tpu.memref_squeeze %dma_wait3A_278 : memref<1x16xf32, #tpu.memory_space<hbm>> -> memref<16xf32, #tpu.memory_space<hbm>>
      %dma_wait3A_280 = arith.constant 0 : i32
      %dma_wait3A_281 = tpu.memref_slice %arg7[%add3A, %dma_wait3A_280] : memref<32x16xf32, #tpu.memory_space<hbm>> -> memref<1x16xf32, #tpu.memory_space<hbm>>
      %dma_wait3A_282 = tpu.memref_squeeze %dma_wait3A_281 : memref<1x16xf32, #tpu.memory_space<hbm>> -> memref<16xf32, #tpu.memory_space<hbm>>
      tpu.wait_dma2 semaphore(%run_scoped3A_270 : memref<!tpu.dma_semaphore, #tpu.memory_space<semaphore_mem>>) src(%arg12 : memref<16xf32, #tpu.memory_space<vmem>>) dst(%dma_wait3A_282 : memref<16xf32, #tpu.memory_space<hbm>>)
      tpu.yield
    }) : () -> ()
    %barrier3A_264 = arith.constant 0 : index
    tpu.barrier barrier_id(%barrier3A_264)
    %eq3A_265 = arith.constant 0 : i32
    %eq3A_266 = arith.cmpi eq, %arg1, %eq3A_265 : i32
    %convert_element_type3A_267 = arith.extui %eq3A_266 : i1 to i32
    %cond3A_268 = arith.constant 0 : i32
    %cond3A_269 = arith.cmpi ne, %convert_element_type3A_267, %cond3A_268 : i32
    scf.if %cond3A_269 {
      "tpu.region"() ({
        %run_scoped3A_270 = tpu.sem_alloc : memref<!tpu.dma_semaphore, #tpu.memory_space<semaphore_mem>>
        %dma_start3A_271 = arith.constant 0 : i32
        %dma_start3A_272 = tpu.memref_slice %arg6[%arg0, %dma_start3A_271] : memref<2x8192xf32, #tpu.memory_space<hbm>> -> memref<1x8192xf32, #tpu.memory_space<hbm>>
        %dma_start3A_273 = tpu.memref_squeeze %dma_start3A_272 : memref<1x8192xf32, #tpu.memory_space<hbm>> -> memref<8192xf32, #tpu.memory_space<hbm>>
        tpu.enqueue_dma source(%arg14 : memref<8192xf32, #tpu.memory_space<vmem_shared>>) target(%dma_start3A_273 : memref<8192xf32, #tpu.memory_space<hbm>>) target_semaphore(%run_scoped3A_270 : memref<!tpu.dma_semaphore, #tpu.memory_space<semaphore_mem>>)
        %dma_wait3A_274 = arith.constant 0 : i32
        %dma_wait3A_275 = tpu.memref_slice %arg6[%arg0, %dma_wait3A_274] : memref<2x8192xf32, #tpu.memory_space<hbm>> -> memref<1x8192xf32, #tpu.memory_space<hbm>>
        %dma_wait3A_276 = tpu.memref_squeeze %dma_wait3A_275 : memref<1x8192xf32, #tpu.memory_space<hbm>> -> memref<8192xf32, #tpu.memory_space<hbm>>
        tpu.wait_dma2 semaphore(%run_scoped3A_270 : memref<!tpu.dma_semaphore, #tpu.memory_space<semaphore_mem>>) src(%arg14 : memref<8192xf32, #tpu.memory_space<vmem_shared>>) dst(%dma_wait3A_276 : memref<8192xf32, #tpu.memory_space<hbm>>)
        tpu.yield
      }) : () -> ()
    } else {
    }
    return
  }
}

module attributes {stable_mosaic.version = 14 : i64} {
  func.func @_argmin_body(%arg0: i32, %arg1: memref<2048x64xf32, #tpu.memory_space<vmem>>, %arg2: memref<8192x64xf32, #tpu.memory_space<vmem>>, %arg3: memref<2048xf32, #tpu.memory_space<vmem>>, %arg4: memref<8192xf32, #tpu.memory_space<vmem>>, %arg5: memref<2048xi32, #tpu.memory_space<vmem>>) attributes {dimension_semantics = [#tpu.dimension_semantics<arbitrary>], iteration_bounds = array<i64: 9>, scalar_prefetch = 0 : i64, scratch_operands = 0 : i64, tpu.core_type = #tpu.core_type<tc>, window_params = [{transform_indices = @transform_0, window_bounds = array<i64: 2048, 64>}, {pipeline_mode = #tpu.pipeline_mode<synchronous>, transform_indices = @transform_1, window_bounds = array<i64: 8192, 64>}, {transform_indices = @transform_2, window_bounds = array<i64: 2048>}, {pipeline_mode = #tpu.pipeline_mode<synchronous>, transform_indices = @transform_3, window_bounds = array<i64: 8192>}, {transform_indices = @transform_4, window_bounds = array<i64: 2048>}]} {
    %get3A = arith.constant 0 : index
    %get3A_0 = arith.constant 0 : index
    %get3A_1 = vector.load %arg1[%get3A, %get3A_0] : memref<2048x64xf32, #tpu.memory_space<vmem>>, vector<2048x64xf32>
    %get3A_2 = arith.constant 0 : index
    %get3A_3 = vector.load %arg3[%get3A_2] : memref<2048xf32, #tpu.memory_space<vmem>>, vector<2048xf32>
    %broadcast_in_dim3A = arith.constant 0x7F800000 : f32
    %broadcast_in_dim3A_4 = vector.broadcast %broadcast_in_dim3A : f32 to vector<2048xf32>
    %broadcast_in_dim3A_5 = arith.constant 0 : i32
    %broadcast_in_dim3A_6 = vector.broadcast %broadcast_in_dim3A_5 : i32 to vector<2048xi32>
    %broadcast_in_dim3A_7 = arith.constant 0x7F800000 : f32
    %broadcast_in_dim3A_8 = vector.broadcast %broadcast_in_dim3A_7 : f32 to vector<2048xf32>
    %broadcast_in_dim3A_9 = arith.constant 0 : i32
    %broadcast_in_dim3A_10 = vector.broadcast %broadcast_in_dim3A_9 : i32 to vector<2048xi32>
    %get3A_11 = arith.constant 0 : index
    %get3A_12 = arith.constant 0 : index
    %get3A_13 = vector.load %arg2[%get3A_11, %get3A_12] : memref<8192x64xf32, #tpu.memory_space<vmem>>, vector<2048x64xf32>
    %get3A_14 = arith.constant 0 : index
    %get3A_15 = vector.load %arg4[%get3A_14] : memref<8192xf32, #tpu.memory_space<vmem>>, vector<2048xf32>
    %dot_general3A = arith.constant dense<0.000000e+00> : vector<2048x2048xf32>
    %dot_general3A_16 = tpu.matmul %get3A_1, %get3A_13, %dot_general3A {dimension_numbers = #tpu.dot_dimension_numbers<[1], [1], [0], [0], [0, 0, 1, 0], [], []>, transpose_lhs_hint = false} : vector<2048x64xf32>, vector<2048x64xf32>, vector<2048x2048xf32> -> vector<2048x2048xf32>
    %broadcast_in_dim3A_17 = vector.shape_cast %get3A_3 : vector<2048xf32> to vector<2048x1xf32>
    %broadcast_in_dim3A_18 = vector.shape_cast %get3A_15 : vector<2048xf32> to vector<1x2048xf32>
    %add3A = vector.broadcast %broadcast_in_dim3A_17 : vector<2048x1xf32> to vector<2048x2048xf32>
    %add3A_19 = vector.broadcast %broadcast_in_dim3A_18 : vector<1x2048xf32> to vector<2048x2048xf32>
    %add3A_20 = arith.addf %add3A, %add3A_19 : vector<2048x2048xf32>
    %mul3A = arith.constant 2.000000e+00 : f32
    %mul3A_21 = vector.broadcast %mul3A : f32 to vector<2048x2048xf32>
    %mul3A_22 = arith.mulf %mul3A_21, %dot_general3A_16 : vector<2048x2048xf32>
    %sub3A = arith.subf %add3A_20, %mul3A_22 : vector<2048x2048xf32>
    %reduce_min3A = arith.constant dense<0x7F800000> : vector<2048xf32>
    %reduce_min3A_23 = vector.multi_reduction <minimumf>, %sub3A, %reduce_min3A [1] : vector<2048x2048xf32> to vector<2048xf32>
    %iota3A = tpu.iota {dimensions = array<i32: 1>} : vector<2048x2048xi32>
    %convert_element_type3A = arith.sitofp %iota3A : vector<2048x2048xi32> to vector<2048x2048xf32>
    %broadcast_in_dim3A_24 = vector.shape_cast %reduce_min3A_23 : vector<2048xf32> to vector<2048x1xf32>
    %eq3A = vector.broadcast %broadcast_in_dim3A_24 : vector<2048x1xf32> to vector<2048x2048xf32>
    %eq3A_25 = arith.cmpf oeq, %sub3A, %eq3A : vector<2048x2048xf32>
    %jit3A = arith.constant 1.000000e+30 : f32
    %broadcast_in_dim3A_26 = vector.broadcast %jit3A : f32 to vector<2048x2048xf32>
    %select_n3A = arith.select %eq3A_25, %convert_element_type3A, %broadcast_in_dim3A_26 : vector<2048x2048xi1>, vector<2048x2048xf32>
    %reduce_min3A_27 = arith.constant dense<0x7F800000> : vector<2048xf32>
    %reduce_min3A_28 = vector.multi_reduction <minimumf>, %select_n3A, %reduce_min3A_27 [1] : vector<2048x2048xf32> to vector<2048xf32>
    %convert_element_type3A_29 = arith.fptosi %reduce_min3A_28 : vector<2048xf32> to vector<2048xi32>
    %add3A_30 = arith.constant 0 : i32
    %add3A_31 = vector.broadcast %add3A_30 : i32 to vector<2048xi32>
    %add3A_32 = arith.addi %convert_element_type3A_29, %add3A_31 : vector<2048xi32>
    %lt3A = arith.cmpf olt, %reduce_min3A_23, %broadcast_in_dim3A_8 : vector<2048xf32>
    %min3A = arith.minimumf %reduce_min3A_23, %broadcast_in_dim3A_8 : vector<2048xf32>
    %select_n3A_33 = arith.select %lt3A, %add3A_32, %broadcast_in_dim3A_10 : vector<2048xi1>, vector<2048xi32>
    %get3A_34 = arith.constant 2048 : index
    %get3A_35 = arith.constant 0 : index
    %get3A_36 = vector.load %arg2[%get3A_34, %get3A_35] : memref<8192x64xf32, #tpu.memory_space<vmem>>, vector<2048x64xf32>
    %get3A_37 = arith.constant 2048 : index
    %get3A_38 = vector.load %arg4[%get3A_37] : memref<8192xf32, #tpu.memory_space<vmem>>, vector<2048xf32>
    %dot_general3A_39 = arith.constant dense<0.000000e+00> : vector<2048x2048xf32>
    %dot_general3A_40 = tpu.matmul %get3A_1, %get3A_36, %dot_general3A_39 {dimension_numbers = #tpu.dot_dimension_numbers<[1], [1], [0], [0], [0, 0, 1, 0], [], []>, transpose_lhs_hint = false} : vector<2048x64xf32>, vector<2048x64xf32>, vector<2048x2048xf32> -> vector<2048x2048xf32>
    %broadcast_in_dim3A_41 = vector.shape_cast %get3A_3 : vector<2048xf32> to vector<2048x1xf32>
    %broadcast_in_dim3A_42 = vector.shape_cast %get3A_38 : vector<2048xf32> to vector<1x2048xf32>
    %add3A_43 = vector.broadcast %broadcast_in_dim3A_41 : vector<2048x1xf32> to vector<2048x2048xf32>
    %add3A_44 = vector.broadcast %broadcast_in_dim3A_42 : vector<1x2048xf32> to vector<2048x2048xf32>
    %add3A_45 = arith.addf %add3A_43, %add3A_44 : vector<2048x2048xf32>
    %mul3A_46 = arith.constant 2.000000e+00 : f32
    %mul3A_47 = vector.broadcast %mul3A_46 : f32 to vector<2048x2048xf32>
    %mul3A_48 = arith.mulf %mul3A_47, %dot_general3A_40 : vector<2048x2048xf32>
    %sub3A_49 = arith.subf %add3A_45, %mul3A_48 : vector<2048x2048xf32>
    %reduce_min3A_50 = arith.constant dense<0x7F800000> : vector<2048xf32>
    %reduce_min3A_51 = vector.multi_reduction <minimumf>, %sub3A_49, %reduce_min3A_50 [1] : vector<2048x2048xf32> to vector<2048xf32>
    %iota3A_52 = tpu.iota {dimensions = array<i32: 1>} : vector<2048x2048xi32>
    %convert_element_type3A_53 = arith.sitofp %iota3A_52 : vector<2048x2048xi32> to vector<2048x2048xf32>
    %broadcast_in_dim3A_54 = vector.shape_cast %reduce_min3A_51 : vector<2048xf32> to vector<2048x1xf32>
    %eq3A_55 = vector.broadcast %broadcast_in_dim3A_54 : vector<2048x1xf32> to vector<2048x2048xf32>
    %eq3A_56 = arith.cmpf oeq, %sub3A_49, %eq3A_55 : vector<2048x2048xf32>
    %jit3A_57 = arith.constant 1.000000e+30 : f32
    %broadcast_in_dim3A_58 = vector.broadcast %jit3A_57 : f32 to vector<2048x2048xf32>
    %select_n3A_59 = arith.select %eq3A_56, %convert_element_type3A_53, %broadcast_in_dim3A_58 : vector<2048x2048xi1>, vector<2048x2048xf32>
    %reduce_min3A_60 = arith.constant dense<0x7F800000> : vector<2048xf32>
    %reduce_min3A_61 = vector.multi_reduction <minimumf>, %select_n3A_59, %reduce_min3A_60 [1] : vector<2048x2048xf32> to vector<2048xf32>
    %convert_element_type3A_62 = arith.fptosi %reduce_min3A_61 : vector<2048xf32> to vector<2048xi32>
    %add3A_63 = arith.constant 2048 : i32
    %add3A_64 = vector.broadcast %add3A_63 : i32 to vector<2048xi32>
    %add3A_65 = arith.addi %convert_element_type3A_62, %add3A_64 : vector<2048xi32>
    %lt3A_66 = arith.cmpf olt, %reduce_min3A_51, %min3A : vector<2048xf32>
    %min3A_67 = arith.minimumf %reduce_min3A_51, %min3A : vector<2048xf32>
    %select_n3A_68 = arith.select %lt3A_66, %add3A_65, %select_n3A_33 : vector<2048xi1>, vector<2048xi32>
    %lt3A_69 = arith.cmpf olt, %min3A_67, %broadcast_in_dim3A_4 : vector<2048xf32>
    %min3A_70 = arith.minimumf %min3A_67, %broadcast_in_dim3A_4 : vector<2048xf32>
    %convert_element_type3A_71 = arith.truncf %min3A_70 : vector<2048xf32> to vector<2048xbf16>
    %convert_element_type3A_72 = arith.extf %convert_element_type3A_71 : vector<2048xbf16> to vector<2048xf32>
    %select_n3A_73 = arith.select %lt3A_69, %select_n3A_68, %broadcast_in_dim3A_6 : vector<2048xi1>, vector<2048xi32>
    %broadcast_in_dim3A_74 = arith.constant 0x7F800000 : f32
    %broadcast_in_dim3A_75 = vector.broadcast %broadcast_in_dim3A_74 : f32 to vector<2048xf32>
    %broadcast_in_dim3A_76 = arith.constant 0 : i32
    %broadcast_in_dim3A_77 = vector.broadcast %broadcast_in_dim3A_76 : i32 to vector<2048xi32>
    %get3A_78 = arith.constant 4096 : index
    %get3A_79 = arith.constant 0 : index
    %get3A_80 = vector.load %arg2[%get3A_78, %get3A_79] : memref<8192x64xf32, #tpu.memory_space<vmem>>, vector<2048x64xf32>
    %get3A_81 = arith.constant 4096 : index
    %get3A_82 = vector.load %arg4[%get3A_81] : memref<8192xf32, #tpu.memory_space<vmem>>, vector<2048xf32>
    %dot_general3A_83 = arith.constant dense<0.000000e+00> : vector<2048x2048xf32>
    %dot_general3A_84 = tpu.matmul %get3A_1, %get3A_80, %dot_general3A_83 {dimension_numbers = #tpu.dot_dimension_numbers<[1], [1], [0], [0], [0, 0, 1, 0], [], []>, transpose_lhs_hint = false} : vector<2048x64xf32>, vector<2048x64xf32>, vector<2048x2048xf32> -> vector<2048x2048xf32>
    %broadcast_in_dim3A_85 = vector.shape_cast %get3A_3 : vector<2048xf32> to vector<2048x1xf32>
    %broadcast_in_dim3A_86 = vector.shape_cast %get3A_82 : vector<2048xf32> to vector<1x2048xf32>
    %add3A_87 = vector.broadcast %broadcast_in_dim3A_85 : vector<2048x1xf32> to vector<2048x2048xf32>
    %add3A_88 = vector.broadcast %broadcast_in_dim3A_86 : vector<1x2048xf32> to vector<2048x2048xf32>
    %add3A_89 = arith.addf %add3A_87, %add3A_88 : vector<2048x2048xf32>
    %mul3A_90 = arith.constant 2.000000e+00 : f32
    %mul3A_91 = vector.broadcast %mul3A_90 : f32 to vector<2048x2048xf32>
    %mul3A_92 = arith.mulf %mul3A_91, %dot_general3A_84 : vector<2048x2048xf32>
    %sub3A_93 = arith.subf %add3A_89, %mul3A_92 : vector<2048x2048xf32>
    %reduce_min3A_94 = arith.constant dense<0x7F800000> : vector<2048xf32>
    %reduce_min3A_95 = vector.multi_reduction <minimumf>, %sub3A_93, %reduce_min3A_94 [1] : vector<2048x2048xf32> to vector<2048xf32>
    %iota3A_96 = tpu.iota {dimensions = array<i32: 1>} : vector<2048x2048xi32>
    %convert_element_type3A_97 = arith.sitofp %iota3A_96 : vector<2048x2048xi32> to vector<2048x2048xf32>
    %broadcast_in_dim3A_98 = vector.shape_cast %reduce_min3A_95 : vector<2048xf32> to vector<2048x1xf32>
    %eq3A_99 = vector.broadcast %broadcast_in_dim3A_98 : vector<2048x1xf32> to vector<2048x2048xf32>
    %eq3A_100 = arith.cmpf oeq, %sub3A_93, %eq3A_99 : vector<2048x2048xf32>
    %jit3A_101 = arith.constant 1.000000e+30 : f32
    %broadcast_in_dim3A_102 = vector.broadcast %jit3A_101 : f32 to vector<2048x2048xf32>
    %select_n3A_103 = arith.select %eq3A_100, %convert_element_type3A_97, %broadcast_in_dim3A_102 : vector<2048x2048xi1>, vector<2048x2048xf32>
    %reduce_min3A_104 = arith.constant dense<0x7F800000> : vector<2048xf32>
    %reduce_min3A_105 = vector.multi_reduction <minimumf>, %select_n3A_103, %reduce_min3A_104 [1] : vector<2048x2048xf32> to vector<2048xf32>
    %convert_element_type3A_106 = arith.fptosi %reduce_min3A_105 : vector<2048xf32> to vector<2048xi32>
    %add3A_107 = arith.constant 4096 : i32
    %add3A_108 = vector.broadcast %add3A_107 : i32 to vector<2048xi32>
    %add3A_109 = arith.addi %convert_element_type3A_106, %add3A_108 : vector<2048xi32>
    %lt3A_110 = arith.cmpf olt, %reduce_min3A_95, %broadcast_in_dim3A_75 : vector<2048xf32>
    %min3A_111 = arith.minimumf %reduce_min3A_95, %broadcast_in_dim3A_75 : vector<2048xf32>
    %select_n3A_112 = arith.select %lt3A_110, %add3A_109, %broadcast_in_dim3A_77 : vector<2048xi1>, vector<2048xi32>
    %get3A_113 = arith.constant 6144 : index
    %get3A_114 = arith.constant 0 : index
    %get3A_115 = vector.load %arg2[%get3A_113, %get3A_114] : memref<8192x64xf32, #tpu.memory_space<vmem>>, vector<2048x64xf32>
    %get3A_116 = arith.constant 6144 : index
    %get3A_117 = vector.load %arg4[%get3A_116] : memref<8192xf32, #tpu.memory_space<vmem>>, vector<2048xf32>
    %dot_general3A_118 = arith.constant dense<0.000000e+00> : vector<2048x2048xf32>
    %dot_general3A_119 = tpu.matmul %get3A_1, %get3A_115, %dot_general3A_118 {dimension_numbers = #tpu.dot_dimension_numbers<[1], [1], [0], [0], [0, 0, 1, 0], [], []>, transpose_lhs_hint = false} : vector<2048x64xf32>, vector<2048x64xf32>, vector<2048x2048xf32> -> vector<2048x2048xf32>
    %broadcast_in_dim3A_120 = vector.shape_cast %get3A_3 : vector<2048xf32> to vector<2048x1xf32>
    %broadcast_in_dim3A_121 = vector.shape_cast %get3A_117 : vector<2048xf32> to vector<1x2048xf32>
    %add3A_122 = vector.broadcast %broadcast_in_dim3A_120 : vector<2048x1xf32> to vector<2048x2048xf32>
    %add3A_123 = vector.broadcast %broadcast_in_dim3A_121 : vector<1x2048xf32> to vector<2048x2048xf32>
    %add3A_124 = arith.addf %add3A_122, %add3A_123 : vector<2048x2048xf32>
    %mul3A_125 = arith.constant 2.000000e+00 : f32
    %mul3A_126 = vector.broadcast %mul3A_125 : f32 to vector<2048x2048xf32>
    %mul3A_127 = arith.mulf %mul3A_126, %dot_general3A_119 : vector<2048x2048xf32>
    %sub3A_128 = arith.subf %add3A_124, %mul3A_127 : vector<2048x2048xf32>
    %reduce_min3A_129 = arith.constant dense<0x7F800000> : vector<2048xf32>
    %reduce_min3A_130 = vector.multi_reduction <minimumf>, %sub3A_128, %reduce_min3A_129 [1] : vector<2048x2048xf32> to vector<2048xf32>
    %iota3A_131 = tpu.iota {dimensions = array<i32: 1>} : vector<2048x2048xi32>
    %convert_element_type3A_132 = arith.sitofp %iota3A_131 : vector<2048x2048xi32> to vector<2048x2048xf32>
    %broadcast_in_dim3A_133 = vector.shape_cast %reduce_min3A_130 : vector<2048xf32> to vector<2048x1xf32>
    %eq3A_134 = vector.broadcast %broadcast_in_dim3A_133 : vector<2048x1xf32> to vector<2048x2048xf32>
    %eq3A_135 = arith.cmpf oeq, %sub3A_128, %eq3A_134 : vector<2048x2048xf32>
    %jit3A_136 = arith.constant 1.000000e+30 : f32
    %broadcast_in_dim3A_137 = vector.broadcast %jit3A_136 : f32 to vector<2048x2048xf32>
    %select_n3A_138 = arith.select %eq3A_135, %convert_element_type3A_132, %broadcast_in_dim3A_137 : vector<2048x2048xi1>, vector<2048x2048xf32>
    %reduce_min3A_139 = arith.constant dense<0x7F800000> : vector<2048xf32>
    %reduce_min3A_140 = vector.multi_reduction <minimumf>, %select_n3A_138, %reduce_min3A_139 [1] : vector<2048x2048xf32> to vector<2048xf32>
    %convert_element_type3A_141 = arith.fptosi %reduce_min3A_140 : vector<2048xf32> to vector<2048xi32>
    %add3A_142 = arith.constant 6144 : i32
    %add3A_143 = vector.broadcast %add3A_142 : i32 to vector<2048xi32>
    %add3A_144 = arith.addi %convert_element_type3A_141, %add3A_143 : vector<2048xi32>
    %lt3A_145 = arith.cmpf olt, %reduce_min3A_130, %min3A_111 : vector<2048xf32>
    %min3A_146 = arith.minimumf %reduce_min3A_130, %min3A_111 : vector<2048xf32>
    %select_n3A_147 = arith.select %lt3A_145, %add3A_144, %select_n3A_112 : vector<2048xi1>, vector<2048xi32>
    %lt3A_148 = arith.cmpf olt, %min3A_146, %convert_element_type3A_72 : vector<2048xf32>
    %select_n3A_149 = arith.select %lt3A_148, %select_n3A_147, %select_n3A_73 : vector<2048xi1>, vector<2048xi32>
    %swap3A = arith.constant 0 : index
    %swap3A_150 = vector.load %arg5[%swap3A] : memref<2048xi32, #tpu.memory_space<vmem>>, vector<2048xi32>
    tpu.vector_store %arg5[%swap3A], %select_n3A_149 {strides = array<i32>} : memref<2048xi32, #tpu.memory_space<vmem>>, vector<2048xi32>,
    return
  }
  func.func @transform_0(%arg0: i32) -> (i32, i32) {
    %c0_i32 = arith.constant 0 : i32
    %c0_i32_0 = arith.constant 0 : i32
    return %arg0, %c0_i32 : i32, i32
  }
  func.func @transform_1(%arg0: i32) -> (i32, i32) {
    %c0_i32 = arith.constant 0 : i32
    %c0_i32_0 = arith.constant 0 : i32
    %c0_i32_1 = arith.constant 0 : i32
    return %c0_i32, %c0_i32_0 : i32, i32
  }
  func.func @transform_2(%arg0: i32) -> i32 {
    %c0_i32 = arith.constant 0 : i32
    return %arg0 : i32
  }
  func.func @transform_3(%arg0: i32) -> i32 {
    %c0_i32 = arith.constant 0 : i32
    %c0_i32_0 = arith.constant 0 : i32
    return %c0_i32 : i32
  }
  func.func @transform_4(%arg0: i32) -> i32 {
    %c0_i32 = arith.constant 0 : i32
    return %arg0 : i32
  }
}

module attributes {stable_mosaic.version = 14 : i64} {
  func.func @_final_body(%arg0: memref<2x8192xf32, #tpu.memory_space<vmem>>, %arg1: memref<32x16xf32, #tpu.memory_space<vmem>>, %arg2: memref<8x128xf32, #tpu.memory_space<vmem>>, %arg3: memref<8x128xf32, #tpu.memory_space<vmem>>) attributes {dimension_semantics = [], scalar_prefetch = 0 : i64, scratch_operands = 0 : i64, tpu.core_type = #tpu.core_type<tc>} {
    %get3A = arith.constant 0 : index
    %get3A_0 = arith.constant 0 : index
    %get3A_1 = vector.load %arg0[%get3A, %get3A_0] : memref<2x8192xf32, #tpu.memory_space<vmem>>, vector<1x8192xf32>
    %get3A_2 = vector.shape_cast %get3A_1 : vector<1x8192xf32> to vector<8192xf32>
    %get3A_3 = arith.constant 1 : index
    %get3A_4 = arith.constant 0 : index
    %get3A_5 = vector.load %arg0[%get3A_3, %get3A_4] : memref<2x8192xf32, #tpu.memory_space<vmem>>, vector<1x8192xf32>
    %get3A_6 = vector.shape_cast %get3A_5 : vector<1x8192xf32> to vector<8192xf32>
    %add3A = arith.addf %get3A_2, %get3A_6 : vector<8192xf32>
    %div3A = arith.constant 1.843200e+04 : f32
    %div3A_7 = vector.broadcast %div3A : f32 to vector<8192xf32>
    %div3A_8 = arith.divf %add3A, %div3A_7 : vector<8192xf32>
    %add3A_9 = arith.constant 1.000000e-10 : f32
    %add3A_10 = vector.broadcast %add3A_9 : f32 to vector<8192xf32>
    %add3A_11 = arith.addf %div3A_8, %add3A_10 : vector<8192xf32>
    %log3A = math.log %add3A_11 : vector<8192xf32>
    %mul3A = arith.mulf %div3A_8, %log3A : vector<8192xf32>
    %reduce_sum3A = vector.shape_cast %mul3A : vector<8192xf32> to vector<1x8192xf32>
    %reduce_sum3A_12 = arith.constant dense<0.000000e+00> : vector<1xf32>
    %reduce_sum3A_13 = vector.multi_reduction <add>, %reduce_sum3A, %reduce_sum3A_12 [1] : vector<1x8192xf32> to vector<1xf32>
    %reduce_sum3A_14 = vector.shape_cast %reduce_sum3A_13 : vector<1xf32> to vector<1x1xf32>
    %reduce_sum3A_15 = vector.extract %reduce_sum3A_14[0, 0] : f32 from vector<1x1xf32>
    %neg3A = arith.constant 0.000000e+00 : f32
    %neg3A_16 = arith.subf %neg3A, %reduce_sum3A_15 : f32
    %broadcast_in_dim3A = vector.broadcast %neg3A_16 : f32 to vector<8x128xf32>
    %exp3A = math.exp %broadcast_in_dim3A : vector<8x128xf32>
    %swap3A = arith.constant 0 : index
    %swap3A_17 = arith.constant 0 : index
    %swap3A_18 = vector.load %arg3[%swap3A, %swap3A_17] : memref<8x128xf32, #tpu.memory_space<vmem>>, vector<8x128xf32>
    tpu.vector_store %arg3[%swap3A, %swap3A_17], %exp3A {strides = array<i32>} : memref<8x128xf32, #tpu.memory_space<vmem>>, vector<8x128xf32>,
    %get3A_19 = arith.constant 0 : index
    %get3A_20 = arith.constant 0 : index
    %get3A_21 = vector.load %arg1[%get3A_19, %get3A_20] : memref<32x16xf32, #tpu.memory_space<vmem>>, vector<32x16xf32>
    %reduce_sum3A_22 = vector.shape_cast %get3A_21 : vector<32x16xf32> to vector<1x32x16xf32>
    %reduce_sum3A_23 = arith.constant dense<0.000000e+00> : vector<1xf32>
    %reduce_sum3A_24 = vector.multi_reduction <add>, %reduce_sum3A_22, %reduce_sum3A_23 [1, 2] : vector<1x32x16xf32> to vector<1xf32>
    %reduce_sum3A_25 = vector.shape_cast %reduce_sum3A_24 : vector<1xf32> to vector<1x1x1xf32>
    %reduce_sum3A_26 = vector.extract %reduce_sum3A_25[0, 0, 0] : f32 from vector<1x1x1xf32>
    %div3A_27 = arith.constant 0x49900000 : f32
    %div3A_28 = arith.divf %reduce_sum3A_26, %div3A_27 : f32
    %mul3A_29 = arith.constant 2.500000e-01 : f32
    %mul3A_30 = arith.mulf %mul3A_29, %div3A_28 : f32
    %broadcast_in_dim3A_31 = vector.broadcast %mul3A_30 : f32 to vector<8x128xf32>
    %swap3A_32 = arith.constant 0 : index
    %swap3A_33 = arith.constant 0 : index
    %swap3A_34 = vector.load %arg2[%swap3A_32, %swap3A_33] : memref<8x128xf32, #tpu.memory_space<vmem>>, vector<8x128xf32>
    tpu.vector_store %arg2[%swap3A_32, %swap3A_33], %broadcast_in_dim3A_31 {strides = array<i32>} : memref<8x128xf32, #tpu.memory_space<vmem>>, vector<8x128xf32>,
    return
  }
}

</mosaic_0001>

<sc_bundles>
// kernel: kernel.5.cloned.1.call-start
scs
__scs_entry_jumppad:
0x0: {  	(pc) =	sbr.rel $0x88, $3  }
0x1: {  	(tag) =	ssettag $0x0;
	lr =	simm.s32 $0x1  }
0x2: {  	[smem:$0x3F9F] =	sst lr;
	_ =	strace $0xD0000000  }
0x3: {  	_ = 	snop  }
0x4: {  	_ = 	snop  }
0x5: {  	_ = 	snop  }
0x6: {  	_ = 	snop  }
0x7: {  	_ = 	snop  }
__scs_overlays_trampoline_lowered:
0x8: {  	[smem:$0x3FAE] =	sst s0  }
0x9: {  	[smem:$0x3FAF] =	sst s1  }
0xa: {  	[smem:$0x3FB0] =	sst s2  }
0xb: {  	[smem:$0x3FB1] =	sst s3  }
0xc: {  	[smem:$0x3FB2] =	sst s4  }
0xd: {  	[smem:$0x3FB3] =	sst s5  }
0xe: {  	[smem:$0x3FB4] =	sst s6  }
0xf: {  	[smem:$0x3FB5] =	sst s7  }
0x10: {  	[smem:$0x3FB6] =	sst s8  }
0x11: {  	[smem:$0x3FB7] =	sst s9;
	s0 =	simm.s32 @!p0 $0x0  }
0x12: {  	s1 =	sld [smem:$0x3F9D];
	s0 =	simm.s32 @p0 $0x1  }
0x13: {  	[smem:$0x3FB8] =	sst s0;
	s0 =	simm.s32 @!p1 $0x0  }
0x14: {  	s2 =	sld [smem:$0x3F9C];
	s0 =	simm.s32 @p1 $0x1  }
0x15: {  	[smem:$0x3FB9] =	sst s0;
	s0 =	simm.s32 @!p2 $0x0  }
0x16: {  	s3 =	sld [smem:$0x3FDB];
	s0 =	simm.s32 @p2 $0x1  }
0x17: {  	s4 =	simm.s32 $0x1BF5;
	[smem:$0x3FBB] =	sst s0  }
0x18: {  	s0 =	sld [smem:$0x3F9E];
	_ =	swait.ge [sflag:s4], $0x0  }
0x19: {  	s7 =	sld [smem:$0x3F9F]  }
0x1a: {  	s8 =	sadd.s32 $0xFFFFE003, lr  }
0x1b: {  	s9 =	sadd.s32 $0xFFFFFEF7, lr;
	s5 =	simm.s32 $0xFFFFFFFF;
	p2 =	slt.u32 s8, $0xFFFFF086  }
0x1c: {  	p1 =	slt.u32 s9, $0xF7A;
	s5 =	simm.s32 @!p2 $0x0  }
0x1d: {  	s5 =	simm.s32 @p1 $0x1;
	p0 =	seq.s32 s7, s2  }
0x1e: {  	s7 =	smul.u32 @!p0 $0xF7A, s2;
	p2 =	seq.s32 @!p0 s5, $0x0  }
0x1f: {  	s9 =	smul.u32 $0xF7A, s1;
	s8 =	simm.s32 @!p0 $0x1BF5;
	p2 =	por !p2, p0  }
0x20: {  	[sflag:s8] =	ssyncset.s32 @!p0 $0xFFFFF086;
	s6 =	sadd.s32 @!p0 s3, s7;
	s7 =	simm.s32 @!p0 $0x108  }
0x21: {  	s3 =	sadd.s32 s3, s9;
	s6 =	sadd.s32 @!p0 $0x88, s6;
	s7 =	simm.s32 @p2 $0x1082  }
0x22: {  	[simem:s7], [sflag:s8] =	dma.local @!p0 [hbm:s6], $0xF7A  }
0x23: {  	s9 =	sor.u32 $0xD0000000, s2;
	s6 =	simm.s32 $0x108;
	_ =	swait.ge @!p0 [sflag:s8], $0x0  }
0x24: {  	s3 =	sadd.s32 $0x88, s3;
	s6 =	simm.s32 @!p1 $0x1082;
	[sflag:s4] =	ssyncset.s32 $0xFFFFF086  }
0x25: {  	[simem:s6], [sflag:s4] =	dma.local [hbm:s3], $0xF7A  }
0x26: {  	[smem:$0x3F9F] =	sst s1;
	(tag) =	ssettag s2;
	_ =	strace s9  }
0x27: {  	s1 =	sld [smem:$0x3FAF]  }
0x28: {  	s2 =	sld [smem:$0x3FB0]  }
0x29: {  	s4 =	sld [smem:$0x3FB2]  }
0x2a: {  	p0 =	seq.s32 s5, $0x0;
	s5 =	sld [smem:$0x3FB3]  }
0x2b: {  	s6 =	sld [smem:$0x3FB4]  }
0x2c: {  	s7 =	sld [smem:$0x3FB5]  }
0x2d: {  	s3 =	simm.s32 $0x108;
	s8 =	sld [smem:$0x3FB6]  }
0x2e: {  	s3 =	simm.s32 @!p0 $0x1082;
	s9 =	sld [smem:$0x3FB7]  }
0x2f: {  	lr =	sadd.s32 s0, s3;
	s0 =	sld [smem:$0x3FAE]  }
0x30: {  	s3 =	sld [smem:$0x3FB1]  }
0x31: {  	[smem:$0x3FBA] =	sst s10  }
0x32: {  	s10 =	sld [smem:$0x3FB8];
	_ =	sdelay $0x3  }
0x33: {  	p0 =	seq.s32 s10, $0x1;
	s10 =	sld [smem:$0x3FBA];
	_ =	sdelay $0x3  }
0x34: {  	[smem:$0x3FBA] =	sst s10  }
0x35: {  	s10 =	sld [smem:$0x3FB9];
	_ =	sdelay $0x3  }
0x36: {  	p1 =	seq.s32 s10, $0x1;
	s10 =	sld [smem:$0x3FBA];
	_ =	sdelay $0x3  }
0x37: {  	[smem:$0x3FBA] =	sst s10  }
0x38: {  	s10 =	sld [smem:$0x3FBB]  }
0x39: {  	_ = 	snop;
	(pc) =	sbr.ind lr, $3  }
0x3a: {  	_ = 	snop  }
0x3b: {  	_ = 	snop  }
0x3c: {  	p2 =	seq.s32 s10, $0x1;
	s10 =	sld [smem:$0x3FBA]  }
0x3d: {  	_ =	shalt  }
0x3e: {  	_ =	shalt  }
0x3f: {  	_ =	shalt  }
0x40: {  	_ =	shalt  }
0x41: {  	_ =	shalt  }
0x42: {  	_ =	shalt  }
0x43: {  	_ =	shalt  }
0x44: {  	_ =	shalt  }
0x45: {  	_ =	shalt  }
0x46: {  	_ =	shalt  }
0x47: {  	_ =	shalt  }
0x48: {  	_ =	shalt  }
0x49: {  	_ =	shalt  }
0x4a: {  	_ =	shalt  }
0x4b: {  	_ =	shalt  }
0x4c: {  	_ =	shalt  }
0x4d: {  	_ =	shalt  }
0x4e: {  	_ =	shalt  }
0x4f: {  	_ =	shalt  }
0x50: {  	_ =	shalt  }
0x51: {  	_ =	shalt  }
0x52: {  	_ =	shalt  }
0x53: {  	_ =	shalt  }
0x54: {  	_ =	shalt  }
0x55: {  	_ =	shalt  }
0x56: {  	_ =	shalt  }
0x57: {  	_ =	shalt  }
0x58: {  	_ =	shalt  }
0x59: {  	_ =	shalt  }
0x5a: {  	_ =	shalt  }
0x5b: {  	_ =	shalt  }
0x5c: {  	_ =	shalt  }
0x5d: {  	_ =	shalt  }
0x5e: {  	_ =	shalt  }
0x5f: {  	_ =	shalt  }
0x60: {  	_ =	shalt  }
0x61: {  	_ =	shalt  }
0x62: {  	_ =	shalt  }
0x63: {  	_ =	shalt  }
0x64: {  	_ =	shalt  }
0x65: {  	_ =	shalt  }
0x66: {  	_ =	shalt  }
0x67: {  	_ =	shalt  }
0x68: {  	_ =	shalt  }
0x69: {  	_ =	shalt  }
0x6a: {  	_ =	shalt  }
0x6b: {  	_ =	shalt  }
0x6c: {  	_ =	shalt  }
0x6d: {  	_ =	shalt  }
0x6e: {  	_ =	shalt  }
0x6f: {  	_ =	shalt  }
0x70: {  	_ =	shalt  }
0x71: {  	_ =	shalt  }
0x72: {  	_ =	shalt  }
0x73: {  	_ =	shalt  }
0x74: {  	_ =	shalt  }
0x75: {  	_ =	shalt  }
0x76: {  	_ =	shalt  }
0x77: {  	_ =	shalt  }
0x78: {  	_ =	shalt  }
0x79: {  	_ =	shalt  }
0x7a: {  	_ =	shalt  }
0x7b: {  	_ =	shalt  }
0x7c: {  	_ =	shalt  }
0x7d: {  	_ =	shalt  }
0x7e: {  	_ =	shalt  }
0x7f: {  	_ =	shalt  }
0x80: {  	_ =	shalt  }
0x81: {  	_ =	shalt  }
0x82: {  	_ =	shalt  }
0x83: {  	_ =	shalt  }
0x84: {  	_ =	shalt  }
0x85: {  	_ =	shalt  }
0x86: {  	_ =	shalt  }
0x87: {  	_ =	shalt  }
.Lfunc_end0:
.L_simem_size_0:
called_computation_lowered:
.L_overlay_start_0:
0x88: {  	s2 =	sld [smem:$0x3FD9]  }
0x89: {  	s3 =	sld [smem:$0x3FFE];
	_ =	sdelay $0x1  }
0x8a: {  	s1 =	srdreg.scid  }
0x8b: {  	s0 =	sand.u32 $0x1, s1  }
0x8c: {  	s14 =	sshll.u32 s0, $0xA;
	s2 =	sadd.s32 s3, s2  }
0x8d: {  	s2 =	sadd.s32 s2, s14  }
0x8e: {  	[smem:$0x3FC6] =	sst s2  }
0x8f: {  	_ = 	snop  }
0x90: {  	s2 =	sld [smem:$0x3FD0];
	_ =	sdelay $0x2  }
0x91: {  	s15 =	simm.s32 $0xA;
	s4 =	simm.s32 $0x10  }
0x92: {  	[smem:s4], [sflag:s15] =	dma.local [hbm:s2], $0x1  }
0x93: {  	_ =	swait.eq [sflag:s15], $0x1  }
0x94: {  	[sflag:s15] =	ssyncset.done $0x0  }
0x95: {  	[sflag:s15] =	ssyncadd.s32 $0xFFFFFFFF  }
0x96: {  	s16 =	sld [smem:$0x10];
	(tm) =	ssettm $0x1  }
0x97: {  	s17 =	sld [smem:$0x3FFB];
	_ =	sdelay $0x3  }
0x98: {  	_ =	strace s17  }
0x99: {  	s3 =	sld [smem:$0x3FFC];
	_ =	sdelay $0x3  }
0x9a: {  	_ =	strace s3  }
0x9b: {  	s3 =	sld [smem:$0x3FFD];
	_ =	sdelay $0x3  }
0x9c: {  	_ =	strace s3  }
0x9d: {  	_ =	strace $0x8FFFFFFF  }
0x9e: {  	s18 =	sld [smem:$0x3FDB];
	_ =	sdelay $0x1  }
0x9f: {  	s19 =	simm.s32 $_scs_section_size  }
0xa0: {  	s5 =	simm.s32 $_size__tile_overlayer_lowered;
	s6 =	simm.s32 $_tile_overlayer_lowered  }
0xa1: {  	s22 =	simm.s32 $0x1BFF;
	s21 =	sshll.u32 s6, $0x1;
	s3 =	sadd.s32 s19, s18  }
0xa2: {  	s7 =	simm.s32 $0x0;
	s20 =	sshll.u32 s5, $0x1;
	s5 =	sadd.s32 s21, s3  }
0xa3: {  	[timem:s7], [sflag:s22] =	dma.local [hbm:s5], s20  }
0xa4: {  	_ =	swait.ge [sflag:s22], s20  }
0xa5: {  	s4 =	ssub.s32 $0x0, s20;
	[sflag:s22] =	ssyncset.done $0x0  }
0xa6: {  	[sflag:s22] =	ssyncadd.s32 s4;
	_ =	sdelay $0x1  }
0xa7: {  	s23 =	simm.s32 $0x1B8B  }
0xa8: {  	_ =	swait.ge [sflag:s23], $0x1  }
0xa9: {  	[sflag:s23] =	ssyncset.done $0x0  }
0xaa: {  	s25 =	simm.s32 $0x1B8E;
	s24 =	sld [smem:$0x3FFE];
	[sflag:s23] =	ssyncadd.s32 $0xFFFFFFFF  }
0xab: {  	s26 =	simm.s32 $execute0_lowered;
	[smem:$0x3FD2] =	sst s25  }
0xac: {  	s5 =	sshll.u32 s26, $0x1;
	_ =	strace $0x80000046;
	[dreg:$0x1] =	wrdreg $0xFFFFFFFF  }
0xad: {  	s28 =	simm.s32 $_size_execute0_lowered;
	s3 =	sadd.s32 s3, s5;
	[dreg:$0x0] =	wrdreg $0x0  }
0xae: {  	s5 =	sshll.u32 s28, $0x1;
	[dreg:$0x2] =	wrdreg s3  }
0xaf: {  	[dreg:$0x3] =	wrdreg s5  }
0xb0: {  	[dreg:$0x4] =	wrdreg $0xC0  }
0xb1: {  	_ =	task [dreg:s7], $0x5FFFF  }
0xb2: {  	[dreg:$0x1] =	wrdreg $0xFFFFFFFF  }
0xb3: {  	[dreg:$0x0] =	wrdreg $0x60  }
0xb4: {  	[dreg:$0x2] =	wrdreg s24  }
0xb5: {  	[dreg:$0x3] =	wrdreg s16  }
0xb6: {  	[dreg:$0x4] =	wrdreg $0x142B00  }
0xb7: {  	[dreg:$0x5] =	wrdreg $0x9  }
0xb8: {  	_ =	task.clear_ibuf [dreg:s7], $0x6FFFF;
	_ =	strace $0x90000046  }
0xb9: {  	s29 =	simm.s32 $0x9;
	_ =	strace $0x80000048  }
0xba: {  	_ =	swait.ge [sflag:s29], $0x1  }
0xbb: {  	[sflag:s29] =	ssyncadd.s32 $0xFFFFFFFF  }
0xbc: {  	_ =	strace $0x90000048  }
0xbd: {  	_ =	sfence  }
0xbe: {  	s30 =	sld [smem:$0x0];
	_ =	sdelay $0x2  }
0xbf: {  	s31 =	sshll.u32 s1, $0xD;
	s1 =	sshrl.u32 s1, $0x2  }
0xc0: {  	s3 =	sand.u32 $0x4000, s31;
	s1 =	sadd.s32 s1, s30  }
0xc1: {  	s0 =	sor.u32 s3, s0;
	s1 =	sshll.u32 s1, $0x11  }
0xc2: {  	s0 =	sor.u32 s1, s0  }
0xc3: {  	s0 =	sadd.s32 $0x8F2B, s0  }
0xc4: {  	[sflag:s0] =	ssyncadd.remote.s32 $0x1  }
0xc5: {  	_ =	sfence.sel $0xFFFF  }
0xc6: {  	[dreg:$0x0] =	wrdreg $0xFFFFFFFF;
	(pc) =	sbr.abs _section_cstart, $3  }
0xc7: {  	[dreg:$0x1] =	wrdreg $0xFFFFFFFF  }
0xc8: {  	_ =	task.clear_ibuf [dreg:s7], $0x2FFFF;
	_ =	strace $0x9FFFFFFF  }
0xc9: {  	(tm) =	ssettm $0x7FFFFFFF  }
tec
execute0_lowered:
.L_overlay_start_1:
0x0: {  	(tag) =	ssettag $0x1  }
0x1: {  	s0 =	srdreg.scid;
	s4 =	rddreg [dreg:$0x0]  }
0x2: {  	s22 =	stileid.u32;
	s10 =	rddreg [dreg:$0x1]  }
0x3: {  	s2 =	simm.s32 $0x0;
	s15 =	simm.s32 $0x4;
	s16 =	simm.s32 $0x60  }
0x4: {  	s17 =	simm.s32 $0xC0;
	s18 =	simm.s32 $0x120;
	s19 =	simm.s32 $0x180  }
0x5: {  	s20 =	simm.s32 $0x1E0;
	s21 =	simm.s32 $0x240;
	s29 =	simm.s32 $0x1  }
0x6: {  	s30 =	simm.s32 $0x2;
	s31 =	simm.s32 $0x12240;
	s23 =	simm.s32 $0x0  }
0x7: {  	s0 =	sand.u32 $0x1, s0;
	s1 =	sshll.u32 s22, $0x1;
	[smem:$0x7FF] =	sst s2  }
0x8: {  	p0 =	sne.s32 s22, $0x0;
	s22 =	simm.s32 $0x122A0;
	s5 =	sor.u32 s0, s1  }
0x9: {  	s1 =	rddreg [dreg:$0x2];
	_ =	strace $0x80000047;
	s3 =	smul.u32 $0x240, s5  }
0xa: {  	s6 =	sshll.u32 s0, $0xA;
	s0 =	ssub.s32 $0x2, s0;
	s11 =	smul.u32 $0x1200, s5  }
0xb: {  	s13 =	sadd.s32 s6, s4;
	s5 =	sshll.u32 s5, $0x1;
	s28 =	sshrl.u32 s0, $0x1  }
0xc: {  	s14 =	sadd.s32 s5, s4;
	s0 =	ssub.s32 s0, s28;
	s13 =	sadd.s32 $0x10E00, s13  }
0xd: {  	s3 =	sshrl.u32 s3, $0x3;
	s12 =	sadd.s32 s11, s4;
	s10 =	sadd.s32 s10, s11  }
0xe: {  	s9 =	sadd.s32 s3, s4;
	s3 =	sadd.s32 $0x400, s4;
	s11 =	sadd.s32 $0x11800, s12  }
0xf: {  	s12 =	sadd.s32 $0x11600, s14;
	s14 =	smax.u32 s0, $0x1;
	s0 =	simm.s32 $0x3  }
0x10: {  	s4 =	sadd.s32 $0x10400, s9;
	s5 =	sadd.s32 $0x1040C, s9;
	s6 =	sadd.s32 $0x10418, s9  }
0x11: {  	v0 =	vimm.f32 $1.000000000e+00;
	v1 =	vimm.f32 $0.0e+00;
	v30 =	vimm.f32 $0.0e+00;
	s7 =	sadd.s32 $0x10424, s9;
	s8 =	sadd.s32 $0x10430, s9;
	s9 =	sadd.s32 $0x1043C, s9  }
.LBB2_1:
0x12: {  	[tilespmem:s2], [sflag:$0x4] =	stream.linear.gather [hbm4b:s4+s2], $0x60, $0x38;
	[tilespmem:$0x144B0] =	vst v63  }
0x13: {  	_ =	swait.ge [sflag:s15], $0x60  }
0x14: {  	[sflag:s15] =	ssyncset.done $0x0  }
0x15: {  	[sflag:s15] =	ssyncadd.s32 $0xFFFFFFA0  }
0x16: {  	[tilespmem:s16], [sflag:$0x4] =	stream.linear.gather [hbm4b:s5+s2], $0x60, $0x38;
	[tilespmem:$0x144B0] =	vst v63  }
0x17: {  	_ =	swait.ge [sflag:s15], $0x60  }
0x18: {  	[sflag:s15] =	ssyncset.done $0x0  }
0x19: {  	[sflag:s15] =	ssyncadd.s32 $0xFFFFFFA0  }
0x1a: {  	[tilespmem:s17], [sflag:$0x4] =	stream.linear.gather [hbm4b:s6+s2], $0x60, $0x38;
	[tilespmem:$0x144B0] =	vst v63  }
0x1b: {  	_ =	swait.ge [sflag:s15], $0x60  }
0x1c: {  	[sflag:s15] =	ssyncset.done $0x0  }
0x1d: {  	[sflag:s15] =	ssyncadd.s32 $0xFFFFFFA0  }
0x1e: {  	[tilespmem:s18], [sflag:$0x4] =	stream.linear.gather [hbm4b:s7+s2], $0x60, $0x38;
	[tilespmem:$0x144B0] =	vst v63  }
0x1f: {  	_ =	swait.ge [sflag:s15], $0x60  }
0x20: {  	[sflag:s15] =	ssyncset.done $0x0  }
0x21: {  	[sflag:s15] =	ssyncadd.s32 $0xFFFFFFA0  }
0x22: {  	[tilespmem:s19], [sflag:$0x4] =	stream.linear.gather [hbm4b:s8+s2], $0x60, $0x38;
	[tilespmem:$0x144B0] =	vst v63  }
0x23: {  	_ =	swait.ge [sflag:s15], $0x60  }
0x24: {  	[sflag:s15] =	ssyncset.done $0x0  }
0x25: {  	[sflag:s15] =	ssyncadd.s32 $0xFFFFFFA0  }
0x26: {  	[tilespmem:s20], [sflag:$0x4] =	stream.linear.gather [hbm4b:s9+s2], $0x60, $0x38;
	[tilespmem:$0x144B0] =	vst v63  }
0x27: {  	_ =	swait.ge [sflag:s15], $0x60  }
0x28: {  	[sflag:s15] =	ssyncset.done $0x0  }
0x29: {  	[sflag:s15] =	ssyncadd.s32 $0xFFFFFFA0  }
0x2a: {  	[tilespmem:s21], [sflag:$0x1] =	stream.indirect.gather [hbm4b:s3+s16], $0x40, s2, s16, $0xb8;
	[tilespmem:$0x144B0] =	vst v63  }
0x2b: {  	s24 =	simm.s32 $0x1A40  }
0x2c: {  	[tilespmem:s24], [sflag:$0x1] =	stream.indirect.gather [hbm4b:s3+s16], $0x40, s16, s16, $0xb8;
	[tilespmem:$0x144B0] =	vst v63  }
0x2d: {  	s26 =	simm.s32 $0x3240  }
0x2e: {  	[tilespmem:s26], [sflag:$0x1] =	stream.indirect.gather [hbm4b:s3+s16], $0x40, s17, s16, $0xb8;
	[tilespmem:$0x144B0] =	vst v63  }
0x2f: {  	s28 =	simm.s32 $0x4A40  }
0x30: {  	[tilespmem:s28], [sflag:$0x1] =	stream.indirect.gather [hbm4b:s3+s16], $0x40, s18, s16, $0xb8;
	[tilespmem:$0x144B0] =	vst v63  }
0x31: {  	s25 =	simm.s32 $0x6240  }
0x32: {  	[tilespmem:s25], [sflag:$0x1] =	stream.indirect.gather [hbm4b:s3+s16], $0x40, s19, s16, $0xb8;
	[tilespmem:$0x144B0] =	vst v63  }
0x33: {  	s26 =	simm.s32 $0x7A40  }
0x34: {  	[tilespmem:s26], [sflag:$0x1] =	stream.indirect.gather [hbm4b:s3+s16], $0x40, s20, s16, $0xb8;
	[tilespmem:$0x144B0] =	vst v63  }
0x35: {  	s28 =	simm.s32 $0x9240  }
0x36: {  	[tilespmem:s28], [sflag:$0x2] =	stream.linear.gather [hbm4b:s10+s2], $0x9000, $0x38;
	[tilespmem:$0x144B0] =	vst v63  }
0x37: {  	[tilespmem:$0x12240] =	vst v0  }
0x38: {  	[tilespmem:$0x12250] =	vst v0  }
0x39: {  	[tilespmem:$0x12260] =	vst v0  }
0x3a: {  	[tilespmem:$0x12270] =	vst v0  }
0x3b: {  	[tilespmem:$0x12280] =	vst v0  }
0x3c: {  	s24 =	simm.s32 $0x122F0;
	[tilespmem:$0x12290] =	vst v0  }
0x3d: {  	[tilespmem:s24+$0xFFFFFFC0] =	vst v1  }
0x3e: {  	[tilespmem:s24+$0x30] =	vst v1  }
0x3f: {  	[tilespmem:s24+$0x20] =	vst v1  }
0x40: {  	[tilespmem:s24+$0x10] =	vst v1  }
0x41: {  	[tilespmem:s24+$0x0] =	vst v1  }
0x42: {  	[tilespmem:s24+$0xFFFFFFF0] =	vst v1  }
0x43: {  	s25 =	simm.s32 $0x0;
	[tilespmem:s24+$0xFFFFFFE0] =	vst v1  }
.LBB2_2:
0x44: {  	s25 =	sadd.s32 $0x8, s25;
	[tilespmem:s24+$0xFFFFFFD0] =	vst v1;
	s24 =	sadd.s32 $0x80, s24  }
0x45: {  	[tilespmem:s24+$0xFFFFFFC0] =	vst v1;
	p1 =	slt.u32 s25, $0x1F8  }
0x46: {  	[tilespmem:s24+$0x30] =	vst v1  }
.Ltmp0:
0x47: {  	[tilespmem:s24+$0x20] =	vst v1;
	(pc) =	sbr.rel @p1 .LBB2_2-.Ltmp0, $4  }
0x48: {  	[tilespmem:s24+$0x10] =	vst v1  }
0x49: {  	[tilespmem:s24+$0x0] =	vst v1  }
0x4a: {  	[tilespmem:s24+$0xFFFFFFF0] =	vst v1  }
0x4b: {  	[tilespmem:s24+$0xFFFFFFE0] =	vst v1  }
0x4c: {  	[tilespmem:s24+$0xFFFFFFD0] =	vst v1  }
0x4d: {  	_ =	swait.ge [sflag:s29], $0x1800  }
0x4e: {  	[sflag:s29] =	ssyncset.done $0x0  }
0x4f: {  	[sflag:s29] =	ssyncadd.s32 $0xFFFFE800  }
0x50: {  	_ =	swait.ge [sflag:s29], $0x1800  }
0x51: {  	[sflag:s29] =	ssyncset.done $0x0  }
0x52: {  	[sflag:s29] =	ssyncadd.s32 $0xFFFFE800  }
0x53: {  	_ =	swait.ge [sflag:s29], $0x1800  }
0x54: {  	[sflag:s29] =	ssyncset.done $0x0  }
0x55: {  	[sflag:s29] =	ssyncadd.s32 $0xFFFFE800  }
0x56: {  	_ =	swait.ge [sflag:s29], $0x1800  }
0x57: {  	[sflag:s29] =	ssyncset.done $0x0  }
0x58: {  	[sflag:s29] =	ssyncadd.s32 $0xFFFFE800  }
0x59: {  	_ =	swait.ge [sflag:s29], $0x1800  }
0x5a: {  	[sflag:s29] =	ssyncset.done $0x0  }
0x5b: {  	[sflag:s29] =	ssyncadd.s32 $0xFFFFE800  }
0x5c: {  	_ =	swait.ge [sflag:s29], $0x1800  }
0x5d: {  	[sflag:s29] =	ssyncset.done $0x0  }
0x5e: {  	[sflag:s29] =	ssyncadd.s32 $0xFFFFE800  }
0x5f: {  	_ =	swait.ge [sflag:s30], $0x9000  }
0x60: {  	[sflag:s30] =	ssyncset.done $0x0  }
0x61: {  	s24 =	simm.s32 @!p0 $0x122B0;
	[sflag:s30] =	ssyncadd.s32 $0xFFFF7000  }
0x62: {  	[spmem:s1] =	stream.linear.scatter @!p0 [tilespmem:s24], [sflag:$0x4], $0x2000, $0x38;
	[tilespmem:$0x144B0] =	vst v63  }
0x63: {  	s24 =	simm.s32 @!p0 $0x4  }
0x64: {  	_ =	swait.ge @!p0 [sflag:s24], $0x2000  }
0x65: {  	[sflag:s24] =	ssyncset.done @!p0 $0x0  }
0x66: {  	[sflag:s24] =	ssyncadd.s32 @!p0 $0xFFFFE000  }
0x67: {  	[bflag:$0x0] =	sbarrier.arrive $0xFFFF  }
0x68: {  	[spmem:s1] =	stream.indirect.scatter.add.f32 [tilespmem:s31], [sflag:$0x3], $0x1, s2, s16, $0xb8;
	[tilespmem:$0x144B0] =	vst v63  }
0x69: {  	_ =	swait.ge [sflag:s0], $0x60  }
0x6a: {  	[sflag:s0] =	ssyncset.done $0x0  }
0x6b: {  	[sflag:s0] =	ssyncadd.s32 $0xFFFFFFA0  }
0x6c: {  	[spmem:s1] =	stream.indirect.scatter.add.f32 [tilespmem:s31], [sflag:$0x3], $0x1, s16, s16, $0xb8;
	[tilespmem:$0x144B0] =	vst v63  }
0x6d: {  	_ =	swait.ge [sflag:s0], $0x60  }
0x6e: {  	[sflag:s0] =	ssyncset.done $0x0  }
0x6f: {  	[sflag:s0] =	ssyncadd.s32 $0xFFFFFFA0  }
0x70: {  	[spmem:s1] =	stream.indirect.scatter.add.f32 [tilespmem:s31], [sflag:$0x3], $0x1, s17, s16, $0xb8;
	[tilespmem:$0x144B0] =	vst v63  }
0x71: {  	_ =	swait.ge [sflag:s0], $0x60  }
0x72: {  	[sflag:s0] =	ssyncset.done $0x0  }
0x73: {  	[sflag:s0] =	ssyncadd.s32 $0xFFFFFFA0  }
0x74: {  	[spmem:s1] =	stream.indirect.scatter.add.f32 [tilespmem:s31], [sflag:$0x3], $0x1, s18, s16, $0xb8;
	[tilespmem:$0x144B0] =	vst v63  }
0x75: {  	_ =	swait.ge [sflag:s0], $0x60  }
0x76: {  	[sflag:s0] =	ssyncset.done $0x0  }
0x77: {  	[sflag:s0] =	ssyncadd.s32 $0xFFFFFFA0  }
0x78: {  	[spmem:s1] =	stream.indirect.scatter.add.f32 [tilespmem:s31], [sflag:$0x3], $0x1, s19, s16, $0xb8;
	[tilespmem:$0x144B0] =	vst v63  }
0x79: {  	_ =	swait.ge [sflag:s0], $0x60  }
0x7a: {  	[sflag:s0] =	ssyncset.done $0x0  }
0x7b: {  	[sflag:s0] =	ssyncadd.s32 $0xFFFFFFA0  }
0x7c: {  	[spmem:s1] =	stream.indirect.scatter.add.f32 [tilespmem:s31], [sflag:$0x3], $0x1, s20, s16, $0xb8;
	[tilespmem:$0x144B0] =	vst v63  }
0x7d: {  	_ =	swait.ge [sflag:s0], $0x60  }
0x7e: {  	[sflag:s0] =	ssyncset.done $0x0  }
0x7f: {  	s24 =	simm.s32 $0x340;
	[sflag:s0] =	ssyncadd.s32 $0xFFFFFFA0  }
0x80: {  	s25 =	simm.s32 $0x9340;
	v2 =	vld [tilespmem:s24+$0xFFFFFF00]  }
0x81: {  	v3 =	vld [tilespmem:s25+$0xFFFFFF00];
	_ =	sdelay $0x4  }
0x82: {  	v2 =	vsub.f32 v2, v3;
	_ =	sdelay $0x1  }
0x83: {  	v3 =	vadd.f32 v2, v3;
	_ =	sdelay $0x1  }
0x84: {  	[tilespmem:s24+$0xFFFFFF00] =	vst v3;
	v3 =	vld [tilespmem:s24+$0xFFFFFF10]  }
0x85: {  	v4 =	vld [tilespmem:s25+$0xFFFFFF10];
	_ =	sdelay $0x4  }
0x86: {  	v3 =	vsub.f32 v3, v4;
	_ =	sdelay $0x1  }
0x87: {  	v4 =	vadd.f32 v3, v4;
	_ =	sdelay $0x1  }
0x88: {  	[tilespmem:s24+$0xFFFFFF10] =	vst v4;
	v4 =	vld [tilespmem:s24+$0xFFFFFF20]  }
0x89: {  	v5 =	vld [tilespmem:s25+$0xFFFFFF20];
	_ =	sdelay $0x4  }
0x8a: {  	v4 =	vsub.f32 v4, v5;
	_ =	sdelay $0x1  }
0x8b: {  	v5 =	vadd.f32 v4, v5;
	_ =	sdelay $0x1  }
0x8c: {  	[tilespmem:s24+$0xFFFFFF20] =	vst v5;
	v5 =	vld [tilespmem:s24+$0xFFFFFF30]  }
0x8d: {  	v6 =	vld [tilespmem:s25+$0xFFFFFF30];
	_ =	sdelay $0x4  }
0x8e: {  	v5 =	vsub.f32 v5, v6;
	_ =	sdelay $0x1  }
0x8f: {  	v6 =	vadd.f32 v5, v6;
	_ =	sdelay $0x1  }
0x90: {  	[tilespmem:s24+$0xFFFFFF30] =	vst v6;
	v6 =	vld [tilespmem:s24+$0xFFFFFF40]  }
0x91: {  	v7 =	vld [tilespmem:s25+$0xFFFFFF40];
	_ =	sdelay $0x4  }
0x92: {  	v6 =	vsub.f32 v6, v7;
	_ =	sdelay $0x1  }
0x93: {  	v7 =	vadd.f32 v6, v7;
	_ =	sdelay $0x1  }
0x94: {  	[tilespmem:s24+$0xFFFFFF40] =	vst v7;
	v7 =	vld [tilespmem:s24+$0xFFFFFF50]  }
0x95: {  	v8 =	vld [tilespmem:s25+$0xFFFFFF50];
	_ =	sdelay $0x4  }
0x96: {  	v7 =	vsub.f32 v7, v8;
	_ =	sdelay $0x1  }
0x97: {  	v8 =	vadd.f32 v7, v8;
	_ =	sdelay $0x1  }
0x98: {  	v41 =	vld [tilespmem:s24+$0xFFFFFF60];
	[tilespmem:s24+$0xFFFFFF50] =	vst v8  }
0x99: {  	v9 =	vld [tilespmem:s25+$0xFFFFFF60];
	_ =	sdelay $0x4  }
0x9a: {  	v8 =	vsub.f32 v41, v9;
	_ =	sdelay $0x1  }
0x9b: {  	v9 =	vadd.f32 v8, v9;
	_ =	sdelay $0x1  }
0x9c: {  	v42 =	vld [tilespmem:s24+$0xFFFFFF70];
	[tilespmem:s24+$0xFFFFFF60] =	vst v9  }
0x9d: {  	v10 =	vld [tilespmem:s25+$0xFFFFFF70];
	_ =	sdelay $0x4  }
0x9e: {  	v9 =	vsub.f32 v42, v10;
	_ =	sdelay $0x1  }
0x9f: {  	v10 =	vadd.f32 v9, v10;
	_ =	sdelay $0x1  }
0xa0: {  	v43 =	vld [tilespmem:s24+$0xFFFFFF80];
	[tilespmem:s24+$0xFFFFFF70] =	vst v10  }
0xa1: {  	v11 =	vld [tilespmem:s25+$0xFFFFFF80];
	_ =	sdelay $0x4  }
0xa2: {  	v10 =	vsub.f32 v43, v11;
	_ =	sdelay $0x1  }
0xa3: {  	v11 =	vadd.f32 v10, v11;
	_ =	sdelay $0x1  }
0xa4: {  	v44 =	vld [tilespmem:s24+$0xFFFFFF90];
	[tilespmem:s24+$0xFFFFFF80] =	vst v11  }
0xa5: {  	v12 =	vld [tilespmem:s25+$0xFFFFFF90];
	_ =	sdelay $0x4  }
0xa6: {  	v11 =	vsub.f32 v44, v12;
	_ =	sdelay $0x1  }
0xa7: {  	v12 =	vadd.f32 v11, v12;
	_ =	sdelay $0x1  }
0xa8: {  	v45 =	vld [tilespmem:s24+$0xFFFFFFA0];
	[tilespmem:s24+$0xFFFFFF90] =	vst v12  }
0xa9: {  	v13 =	vld [tilespmem:s25+$0xFFFFFFA0];
	_ =	sdelay $0x4  }
0xaa: {  	v12 =	vsub.f32 v45, v13;
	_ =	sdelay $0x1  }
0xab: {  	v13 =	vadd.f32 v12, v13;
	_ =	sdelay $0x1  }
0xac: {  	v46 =	vld [tilespmem:s24+$0xFFFFFFB0];
	[tilespmem:s24+$0xFFFFFFA0] =	vst v13  }
0xad: {  	v14 =	vld [tilespmem:s25+$0xFFFFFFB0];
	_ =	sdelay $0x4  }
0xae: {  	v13 =	vsub.f32 v46, v14;
	_ =	sdelay $0x1  }
0xaf: {  	v14 =	vadd.f32 v13, v14;
	_ =	sdelay $0x1  }
0xb0: {  	v47 =	vld [tilespmem:s24+$0xFFFFFFC0];
	[tilespmem:s24+$0xFFFFFFB0] =	vst v14  }
0xb1: {  	v15 =	vld [tilespmem:s25+$0xFFFFFFC0];
	_ =	sdelay $0x4  }
0xb2: {  	v14 =	vsub.f32 v47, v15;
	_ =	sdelay $0x1  }
0xb3: {  	v15 =	vadd.f32 v14, v15;
	_ =	sdelay $0x1  }
0xb4: {  	v48 =	vld [tilespmem:s24+$0xFFFFFFD0];
	[tilespmem:s24+$0xFFFFFFC0] =	vst v15  }
0xb5: {  	v16 =	vld [tilespmem:s25+$0xFFFFFFD0];
	_ =	sdelay $0x4  }
0xb6: {  	v15 =	vsub.f32 v48, v16;
	_ =	sdelay $0x1  }
0xb7: {  	v16 =	vadd.f32 v15, v16;
	_ =	sdelay $0x1  }
0xb8: {  	v49 =	vld [tilespmem:s24+$0xFFFFFFE0];
	[tilespmem:s24+$0xFFFFFFD0] =	vst v16  }
0xb9: {  	v17 =	vld [tilespmem:s25+$0xFFFFFFE0];
	_ =	sdelay $0x4  }
0xba: {  	v16 =	vsub.f32 v49, v17;
	_ =	sdelay $0x1  }
0xbb: {  	v17 =	vadd.f32 v16, v17;
	_ =	sdelay $0x1  }
0xbc: {  	v50 =	vld [tilespmem:s24+$0xFFFFFFF0];
	[tilespmem:s24+$0xFFFFFFE0] =	vst v17  }
0xbd: {  	v18 =	vld [tilespmem:s25+$0xFFFFFFF0];
	_ =	sdelay $0x4  }
0xbe: {  	v17 =	vsub.f32 v50, v18;
	_ =	sdelay $0x1  }
0xbf: {  	v18 =	vadd.f32 v17, v18;
	_ =	sdelay $0x1  }
0xc0: {  	v51 =	vld [tilespmem:s24+$0x0];
	[tilespmem:s24+$0xFFFFFFF0] =	vst v18  }
0xc1: {  	v19 =	vld [tilespmem:s25+$0x0];
	_ =	sdelay $0x4  }
0xc2: {  	v18 =	vsub.f32 v51, v19;
	_ =	sdelay $0x1  }
0xc3: {  	v19 =	vadd.f32 v18, v19;
	_ =	sdelay $0x1  }
0xc4: {  	v52 =	vld [tilespmem:s24+$0x10];
	[tilespmem:s24+$0x0] =	vst v19  }
0xc5: {  	v20 =	vld [tilespmem:s25+$0x10];
	_ =	sdelay $0x4  }
0xc6: {  	v19 =	vsub.f32 v52, v20;
	_ =	sdelay $0x1  }
0xc7: {  	v20 =	vadd.f32 v19, v20;
	_ =	sdelay $0x1  }
0xc8: {  	v53 =	vld [tilespmem:s24+$0x20];
	[tilespmem:s24+$0x10] =	vst v20  }
0xc9: {  	v21 =	vld [tilespmem:s25+$0x20];
	_ =	sdelay $0x4  }
0xca: {  	v20 =	vsub.f32 v53, v21;
	_ =	sdelay $0x1  }
0xcb: {  	v21 =	vadd.f32 v20, v21;
	_ =	sdelay $0x1  }
0xcc: {  	v54 =	vld [tilespmem:s24+$0x30];
	[tilespmem:s24+$0x20] =	vst v21  }
0xcd: {  	v22 =	vld [tilespmem:s25+$0x30];
	_ =	sdelay $0x4  }
0xce: {  	v21 =	vsub.f32 v54, v22;
	_ =	sdelay $0x1  }
0xcf: {  	v22 =	vadd.f32 v21, v22;
	_ =	sdelay $0x1  }
0xd0: {  	v55 =	vld [tilespmem:s24+$0x40];
	[tilespmem:s24+$0x30] =	vst v22  }
0xd1: {  	v23 =	vld [tilespmem:s25+$0x40];
	_ =	sdelay $0x4  }
0xd2: {  	v22 =	vsub.f32 v55, v23;
	_ =	sdelay $0x1  }
0xd3: {  	v23 =	vadd.f32 v22, v23;
	_ =	sdelay $0x1  }
0xd4: {  	v56 =	vld [tilespmem:s24+$0x50];
	[tilespmem:s24+$0x40] =	vst v23  }
0xd5: {  	v24 =	vld [tilespmem:s25+$0x50];
	_ =	sdelay $0x4  }
0xd6: {  	v23 =	vsub.f32 v56, v24;
	_ =	sdelay $0x1  }
0xd7: {  	v24 =	vadd.f32 v23, v24;
	_ =	sdelay $0x1  }
0xd8: {  	v57 =	vld [tilespmem:s24+$0x60];
	[tilespmem:s24+$0x50] =	vst v24  }
0xd9: {  	v25 =	vld [tilespmem:s25+$0x60];
	_ =	sdelay $0x4  }
0xda: {  	v24 =	vsub.f32 v57, v25;
	_ =	sdelay $0x1  }
0xdb: {  	v25 =	vadd.f32 v24, v25;
	_ =	sdelay $0x1  }
0xdc: {  	v58 =	vld [tilespmem:s24+$0x70];
	[tilespmem:s24+$0x60] =	vst v25  }
0xdd: {  	v26 =	vld [tilespmem:s25+$0x70];
	_ =	sdelay $0x4  }
0xde: {  	v25 =	vsub.f32 v58, v26;
	_ =	sdelay $0x1  }
0xdf: {  	v26 =	vadd.f32 v25, v26;
	_ =	sdelay $0x1  }
0xe0: {  	v59 =	vld [tilespmem:s24+$0x80];
	[tilespmem:s24+$0x70] =	vst v26  }
0xe1: {  	v27 =	vld [tilespmem:s25+$0x80];
	_ =	sdelay $0x4  }
0xe2: {  	v26 =	vsub.f32 v59, v27;
	_ =	sdelay $0x1  }
0xe3: {  	v27 =	vadd.f32 v26, v27;
	_ =	sdelay $0x1  }
0xe4: {  	v60 =	vld [tilespmem:s24+$0x90];
	[tilespmem:s24+$0x80] =	vst v27  }
0xe5: {  	v28 =	vld [tilespmem:s25+$0x90];
	_ =	sdelay $0x4  }
0xe6: {  	v2 =	vmul.f32 v2, v2;
	v27 =	vsub.f32 v60, v28;
	_ =	sdelay $0x1  }
0xe7: {  	v2 =	vadd.f32 v2, v30;
	v3 =	vmul.f32 v3, v3;
	v28 =	vadd.f32 v27, v28;
	_ =	sdelay $0x1  }
0xe8: {  	v2 =	vadd.f32 v3, v2;
	v3 =	vmul.f32 v4, v4;
	[tilespmem:s24+$0x90] =	vst v28;
	v28 =	vld [tilespmem:s24+$0xA0]  }
0xe9: {  	v29 =	vld [tilespmem:s25+$0xA0]  }
0xea: {  	v2 =	vadd.f32 v3, v2;
	v3 =	vmul.f32 v5, v5;
	_ =	sdelay $0x1  }
0xeb: {  	v2 =	vadd.f32 v3, v2;
	v3 =	vmul.f32 v6, v6;
	_ =	sdelay $0x1  }
0xec: {  	v2 =	vadd.f32 v3, v2;
	v3 =	vmul.f32 v7, v7;
	v4 =	vsub.f32 v28, v29;
	_ =	sdelay $0x1  }
0xed: {  	v2 =	vadd.f32 v3, v2;
	v3 =	vmul.f32 v8, v8;
	v5 =	vadd.f32 v4, v29;
	_ =	sdelay $0x1  }
0xee: {  	v2 =	vadd.f32 v3, v2;
	v3 =	vmul.f32 v9, v9;
	[tilespmem:s24+$0xA0] =	vst v5;
	v5 =	vld [tilespmem:s24+$0xB0]  }
0xef: {  	v6 =	vld [tilespmem:s25+$0xB0]  }
0xf0: {  	v2 =	vadd.f32 v3, v2;
	v3 =	vmul.f32 v10, v10;
	_ =	sdelay $0x1  }
0xf1: {  	v2 =	vadd.f32 v3, v2;
	v3 =	vmul.f32 v11, v11;
	_ =	sdelay $0x1  }
0xf2: {  	v2 =	vadd.f32 v3, v2;
	v3 =	vmul.f32 v12, v12;
	v5 =	vsub.f32 v5, v6;
	_ =	sdelay $0x1  }
0xf3: {  	v2 =	vadd.f32 v3, v2;
	v3 =	vmul.f32 v13, v13;
	v6 =	vadd.f32 v5, v6;
	_ =	sdelay $0x1  }
0xf4: {  	v2 =	vadd.f32 v3, v2;
	v3 =	vmul.f32 v14, v14;
	[tilespmem:s24+$0xB0] =	vst v6;
	v6 =	vld [tilespmem:s24+$0xC0]  }
0xf5: {  	v7 =	vld [tilespmem:s25+$0xC0]  }
0xf6: {  	v2 =	vadd.f32 v3, v2;
	v3 =	vmul.f32 v15, v15;
	_ =	sdelay $0x1  }
0xf7: {  	v2 =	vadd.f32 v3, v2;
	v3 =	vmul.f32 v16, v16;
	_ =	sdelay $0x1  }
0xf8: {  	v2 =	vadd.f32 v3, v2;
	v3 =	vmul.f32 v17, v17;
	v6 =	vsub.f32 v6, v7;
	_ =	sdelay $0x1  }
0xf9: {  	v2 =	vadd.f32 v3, v2;
	v3 =	vmul.f32 v18, v18;
	v7 =	vadd.f32 v6, v7;
	_ =	sdelay $0x1  }
0xfa: {  	v2 =	vadd.f32 v3, v2;
	v3 =	vmul.f32 v19, v19;
	[tilespmem:s24+$0xC0] =	vst v7;
	v7 =	vld [tilespmem:s24+$0xD0]  }
0xfb: {  	v61 =	vld [tilespmem:s25+$0xD0]  }
0xfc: {  	v2 =	vadd.f32 v3, v2;
	v3 =	vmul.f32 v20, v20;
	_ =	sdelay $0x1  }
0xfd: {  	v2 =	vadd.f32 v3, v2;
	v3 =	vmul.f32 v21, v21;
	_ =	sdelay $0x1  }
0xfe: {  	v2 =	vadd.f32 v3, v2;
	v3 =	vmul.f32 v22, v22;
	v7 =	vsub.f32 v7, v61;
	_ =	sdelay $0x1  }
0xff: {  	v2 =	vadd.f32 v3, v2;
	v3 =	vmul.f32 v23, v23;
	v8 =	vadd.f32 v7, v61;
	_ =	sdelay $0x1  }
0x100: {  	v62 =	vld [tilespmem:s24+$0xE0];
	v2 =	vadd.f32 v3, v2;
	v3 =	vmul.f32 v24, v24;
	[tilespmem:s24+$0xD0] =	vst v8  }
0x101: {  	v63 =	vld [tilespmem:s25+$0xE0]  }
0x102: {  	v2 =	vadd.f32 v3, v2;
	v3 =	vmul.f32 v25, v25;
	_ =	sdelay $0x1  }
0x103: {  	v2 =	vadd.f32 v3, v2;
	v3 =	vmul.f32 v26, v26;
	_ =	sdelay $0x1  }
0x104: {  	v2 =	vadd.f32 v3, v2;
	v3 =	vmul.f32 v27, v27;
	v8 =	vsub.f32 v62, v63;
	_ =	sdelay $0x1  }
0x105: {  	v2 =	vadd.f32 v3, v2;
	v3 =	vmul.f32 v4, v4;
	v9 =	vadd.f32 v8, v63;
	_ =	sdelay $0x1  }
0x106: {  	v4 =	vld [tilespmem:s24+$0xF0];
	v2 =	vadd.f32 v3, v2;
	v3 =	vmul.f32 v5, v5;
	[tilespmem:s24+$0xE0] =	vst v9  }
0x107: {  	v5 =	vld [tilespmem:s25+$0xF0]  }
0x108: {  	v2 =	vadd.f32 v3, v2;
	v3 =	vmul.f32 v6, v6;
	_ =	sdelay $0x1  }
0x109: {  	v2 =	vadd.f32 v3, v2;
	v3 =	vmul.f32 v7, v7;
	_ =	sdelay $0x1  }
0x10a: {  	v2 =	vadd.f32 v3, v2;
	v3 =	vmul.f32 v8, v8;
	v4 =	vsub.f32 v4, v5;
	_ =	sdelay $0x1  }
0x10b: {  	v2 =	vadd.f32 v3, v2;
	v3 =	vmul.f32 v4, v4;
	v4 =	vadd.f32 v4, v5  }
0x10c: {  	s26 =	simm.s32 $0x0;
	s28 =	simm.s32 $0x540  }
.LBB2_4:
0x10d: {  	v5 =	vld [tilespmem:s28+$0xFFFFFF00];
	v2 =	vadd.f32 v3, v2;
	[tilespmem:s24+$0xF0] =	vst v4;
	s25 =	sadd.s32 $0x200, s25;
	s24 =	smov.u32 s28  }
0x10e: {  	s26 =	sadd.s32 $0x8, s26;
	v3 =	vld [tilespmem:s25+$0xFFFFFF00]  }
0x10f: {  	p1 =	slt.u32 s26, $0x238;
	_ =	sdelay $0x3  }
0x110: {  	v4 =	vsub.f32 v5, v3;
	_ =	sdelay $0x1  }
0x111: {  	v5 =	vmul.f32 v4, v4;
	v3 =	vadd.f32 v4, v3;
	_ =	sdelay $0x1  }
0x112: {  	v2 =	vadd.f32 v5, v2;
	[tilespmem:s28+$0xFFFFFF00] =	vst v3;
	v3 =	vld [tilespmem:s28+$0xFFFFFF10]  }
0x113: {  	v4 =	vld [tilespmem:s25+$0xFFFFFF10];
	_ =	sdelay $0x4  }
0x114: {  	v3 =	vsub.f32 v3, v4;
	_ =	sdelay $0x1  }
0x115: {  	v5 =	vmul.f32 v3, v3;
	v3 =	vadd.f32 v3, v4;
	_ =	sdelay $0x1  }
0x116: {  	v2 =	vadd.f32 v5, v2;
	[tilespmem:s28+$0xFFFFFF10] =	vst v3;
	v3 =	vld [tilespmem:s28+$0xFFFFFF20]  }
0x117: {  	v4 =	vld [tilespmem:s25+$0xFFFFFF20];
	_ =	sdelay $0x4  }
0x118: {  	v3 =	vsub.f32 v3, v4;
	_ =	sdelay $0x1  }
0x119: {  	v5 =	vmul.f32 v3, v3;
	v3 =	vadd.f32 v3, v4;
	_ =	sdelay $0x1  }
0x11a: {  	v2 =	vadd.f32 v5, v2;
	[tilespmem:s28+$0xFFFFFF20] =	vst v3;
	v3 =	vld [tilespmem:s28+$0xFFFFFF30]  }
0x11b: {  	v4 =	vld [tilespmem:s25+$0xFFFFFF30];
	_ =	sdelay $0x4  }
0x11c: {  	v3 =	vsub.f32 v3, v4;
	_ =	sdelay $0x1  }
0x11d: {  	v5 =	vmul.f32 v3, v3;
	v3 =	vadd.f32 v3, v4;
	_ =	sdelay $0x1  }
0x11e: {  	v2 =	vadd.f32 v5, v2;
	[tilespmem:s28+$0xFFFFFF30] =	vst v3;
	v3 =	vld [tilespmem:s28+$0xFFFFFF40]  }
0x11f: {  	v4 =	vld [tilespmem:s25+$0xFFFFFF40];
	_ =	sdelay $0x4  }
0x120: {  	v3 =	vsub.f32 v3, v4;
	_ =	sdelay $0x1  }
0x121: {  	v5 =	vmul.f32 v3, v3;
	v3 =	vadd.f32 v3, v4;
	_ =	sdelay $0x1  }
0x122: {  	v2 =	vadd.f32 v5, v2;
	[tilespmem:s28+$0xFFFFFF40] =	vst v3;
	v3 =	vld [tilespmem:s28+$0xFFFFFF50]  }
0x123: {  	v4 =	vld [tilespmem:s25+$0xFFFFFF50];
	_ =	sdelay $0x4  }
0x124: {  	v3 =	vsub.f32 v3, v4;
	_ =	sdelay $0x1  }
0x125: {  	v5 =	vmul.f32 v3, v3;
	v3 =	vadd.f32 v3, v4;
	_ =	sdelay $0x1  }
0x126: {  	v2 =	vadd.f32 v5, v2;
	[tilespmem:s28+$0xFFFFFF50] =	vst v3;
	v3 =	vld [tilespmem:s28+$0xFFFFFF60]  }
0x127: {  	v4 =	vld [tilespmem:s25+$0xFFFFFF60];
	_ =	sdelay $0x4  }
0x128: {  	v3 =	vsub.f32 v3, v4;
	_ =	sdelay $0x1  }
0x129: {  	v5 =	vmul.f32 v3, v3;
	v3 =	vadd.f32 v3, v4;
	_ =	sdelay $0x1  }
0x12a: {  	v2 =	vadd.f32 v5, v2;
	[tilespmem:s28+$0xFFFFFF60] =	vst v3;
	v3 =	vld [tilespmem:s28+$0xFFFFFF70]  }
0x12b: {  	v4 =	vld [tilespmem:s25+$0xFFFFFF70];
	_ =	sdelay $0x4  }
0x12c: {  	v3 =	vsub.f32 v3, v4;
	_ =	sdelay $0x1  }
0x12d: {  	v5 =	vmul.f32 v3, v3;
	v3 =	vadd.f32 v3, v4;
	_ =	sdelay $0x1  }
0x12e: {  	v2 =	vadd.f32 v5, v2;
	[tilespmem:s28+$0xFFFFFF70] =	vst v3;
	v3 =	vld [tilespmem:s28+$0xFFFFFF80]  }
0x12f: {  	v4 =	vld [tilespmem:s25+$0xFFFFFF80];
	_ =	sdelay $0x4  }
0x130: {  	v3 =	vsub.f32 v3, v4;
	_ =	sdelay $0x1  }
0x131: {  	v5 =	vmul.f32 v3, v3;
	v3 =	vadd.f32 v3, v4;
	_ =	sdelay $0x1  }
0x132: {  	v2 =	vadd.f32 v5, v2;
	[tilespmem:s28+$0xFFFFFF80] =	vst v3;
	v3 =	vld [tilespmem:s28+$0xFFFFFF90]  }
0x133: {  	v4 =	vld [tilespmem:s25+$0xFFFFFF90];
	_ =	sdelay $0x4  }
0x134: {  	v3 =	vsub.f32 v3, v4;
	_ =	sdelay $0x1  }
0x135: {  	v5 =	vmul.f32 v3, v3;
	v3 =	vadd.f32 v3, v4;
	_ =	sdelay $0x1  }
0x136: {  	v2 =	vadd.f32 v5, v2;
	[tilespmem:s28+$0xFFFFFF90] =	vst v3;
	v3 =	vld [tilespmem:s28+$0xFFFFFFA0]  }
0x137: {  	v4 =	vld [tilespmem:s25+$0xFFFFFFA0];
	_ =	sdelay $0x4  }
0x138: {  	v3 =	vsub.f32 v3, v4;
	_ =	sdelay $0x1  }
0x139: {  	v5 =	vmul.f32 v3, v3;
	v3 =	vadd.f32 v3, v4;
	_ =	sdelay $0x1  }
0x13a: {  	v2 =	vadd.f32 v5, v2;
	[tilespmem:s28+$0xFFFFFFA0] =	vst v3;
	v3 =	vld [tilespmem:s28+$0xFFFFFFB0]  }
0x13b: {  	v4 =	vld [tilespmem:s25+$0xFFFFFFB0];
	_ =	sdelay $0x4  }
0x13c: {  	v3 =	vsub.f32 v3, v4;
	_ =	sdelay $0x1  }
0x13d: {  	v5 =	vmul.f32 v3, v3;
	v3 =	vadd.f32 v3, v4;
	_ =	sdelay $0x1  }
0x13e: {  	v2 =	vadd.f32 v5, v2;
	[tilespmem:s28+$0xFFFFFFB0] =	vst v3;
	v3 =	vld [tilespmem:s28+$0xFFFFFFC0]  }
0x13f: {  	v4 =	vld [tilespmem:s25+$0xFFFFFFC0];
	_ =	sdelay $0x4  }
0x140: {  	v3 =	vsub.f32 v3, v4;
	_ =	sdelay $0x1  }
0x141: {  	v5 =	vmul.f32 v3, v3;
	v3 =	vadd.f32 v3, v4;
	_ =	sdelay $0x1  }
0x142: {  	v2 =	vadd.f32 v5, v2;
	[tilespmem:s28+$0xFFFFFFC0] =	vst v3;
	v3 =	vld [tilespmem:s28+$0xFFFFFFD0]  }
0x143: {  	v4 =	vld [tilespmem:s25+$0xFFFFFFD0];
	_ =	sdelay $0x4  }
0x144: {  	v3 =	vsub.f32 v3, v4;
	_ =	sdelay $0x1  }
0x145: {  	v5 =	vmul.f32 v3, v3;
	v3 =	vadd.f32 v3, v4;
	_ =	sdelay $0x1  }
0x146: {  	v2 =	vadd.f32 v5, v2;
	[tilespmem:s28+$0xFFFFFFD0] =	vst v3;
	v3 =	vld [tilespmem:s28+$0xFFFFFFE0]  }
0x147: {  	v4 =	vld [tilespmem:s25+$0xFFFFFFE0];
	_ =	sdelay $0x4  }
0x148: {  	v3 =	vsub.f32 v3, v4;
	_ =	sdelay $0x1  }
0x149: {  	v5 =	vmul.f32 v3, v3;
	v3 =	vadd.f32 v3, v4;
	_ =	sdelay $0x1  }
0x14a: {  	v2 =	vadd.f32 v5, v2;
	[tilespmem:s28+$0xFFFFFFE0] =	vst v3;
	v3 =	vld [tilespmem:s28+$0xFFFFFFF0]  }
0x14b: {  	v4 =	vld [tilespmem:s25+$0xFFFFFFF0];
	_ =	sdelay $0x4  }
0x14c: {  	v3 =	vsub.f32 v3, v4;
	_ =	sdelay $0x1  }
0x14d: {  	v5 =	vmul.f32 v3, v3;
	v3 =	vadd.f32 v3, v4;
	_ =	sdelay $0x1  }
0x14e: {  	v2 =	vadd.f32 v5, v2;
	[tilespmem:s28+$0xFFFFFFF0] =	vst v3;
	v3 =	vld [tilespmem:s28+$0x0]  }
0x14f: {  	v4 =	vld [tilespmem:s25+$0x0];
	_ =	sdelay $0x4  }
0x150: {  	v3 =	vsub.f32 v3, v4;
	_ =	sdelay $0x1  }
0x151: {  	v5 =	vmul.f32 v3, v3;
	v3 =	vadd.f32 v3, v4;
	_ =	sdelay $0x1  }
0x152: {  	v2 =	vadd.f32 v5, v2;
	[tilespmem:s28+$0x0] =	vst v3;
	v3 =	vld [tilespmem:s28+$0x10]  }
0x153: {  	v4 =	vld [tilespmem:s25+$0x10];
	_ =	sdelay $0x4  }
0x154: {  	v3 =	vsub.f32 v3, v4;
	_ =	sdelay $0x1  }
0x155: {  	v5 =	vmul.f32 v3, v3;
	v3 =	vadd.f32 v3, v4;
	_ =	sdelay $0x1  }
0x156: {  	v2 =	vadd.f32 v5, v2;
	[tilespmem:s28+$0x10] =	vst v3;
	v3 =	vld [tilespmem:s28+$0x20]  }
0x157: {  	v4 =	vld [tilespmem:s25+$0x20];
	_ =	sdelay $0x4  }
0x158: {  	v3 =	vsub.f32 v3, v4;
	_ =	sdelay $0x1  }
0x159: {  	v5 =	vmul.f32 v3, v3;
	v3 =	vadd.f32 v3, v4;
	_ =	sdelay $0x1  }
0x15a: {  	v2 =	vadd.f32 v5, v2;
	[tilespmem:s28+$0x20] =	vst v3;
	v3 =	vld [tilespmem:s28+$0x30]  }
0x15b: {  	v4 =	vld [tilespmem:s25+$0x30];
	_ =	sdelay $0x4  }
0x15c: {  	v3 =	vsub.f32 v3, v4;
	_ =	sdelay $0x1  }
0x15d: {  	v5 =	vmul.f32 v3, v3;
	v3 =	vadd.f32 v3, v4;
	_ =	sdelay $0x1  }
0x15e: {  	v2 =	vadd.f32 v5, v2;
	[tilespmem:s28+$0x30] =	vst v3;
	v3 =	vld [tilespmem:s28+$0x40]  }
0x15f: {  	v4 =	vld [tilespmem:s25+$0x40];
	_ =	sdelay $0x4  }
0x160: {  	v3 =	vsub.f32 v3, v4;
	_ =	sdelay $0x1  }
0x161: {  	v5 =	vmul.f32 v3, v3;
	v3 =	vadd.f32 v3, v4;
	_ =	sdelay $0x1  }
0x162: {  	v2 =	vadd.f32 v5, v2;
	[tilespmem:s28+$0x40] =	vst v3;
	v3 =	vld [tilespmem:s28+$0x50]  }
0x163: {  	v4 =	vld [tilespmem:s25+$0x50];
	_ =	sdelay $0x4  }
0x164: {  	v3 =	vsub.f32 v3, v4;
	_ =	sdelay $0x1  }
0x165: {  	v5 =	vmul.f32 v3, v3;
	v3 =	vadd.f32 v3, v4;
	_ =	sdelay $0x1  }
0x166: {  	v2 =	vadd.f32 v5, v2;
	[tilespmem:s28+$0x50] =	vst v3;
	v3 =	vld [tilespmem:s28+$0x60]  }
0x167: {  	v4 =	vld [tilespmem:s25+$0x60];
	_ =	sdelay $0x4  }
0x168: {  	v3 =	vsub.f32 v3, v4;
	_ =	sdelay $0x1  }
0x169: {  	v5 =	vmul.f32 v3, v3;
	v3 =	vadd.f32 v3, v4;
	_ =	sdelay $0x1  }
0x16a: {  	v2 =	vadd.f32 v5, v2;
	[tilespmem:s28+$0x60] =	vst v3;
	v3 =	vld [tilespmem:s28+$0x70]  }
0x16b: {  	v4 =	vld [tilespmem:s25+$0x70];
	_ =	sdelay $0x4  }
0x16c: {  	v3 =	vsub.f32 v3, v4;
	_ =	sdelay $0x1  }
0x16d: {  	v5 =	vmul.f32 v3, v3;
	v3 =	vadd.f32 v3, v4;
	_ =	sdelay $0x1  }
0x16e: {  	v2 =	vadd.f32 v5, v2;
	[tilespmem:s28+$0x70] =	vst v3;
	v3 =	vld [tilespmem:s28+$0x80]  }
0x16f: {  	v4 =	vld [tilespmem:s25+$0x80];
	_ =	sdelay $0x4  }
0x170: {  	v3 =	vsub.f32 v3, v4;
	_ =	sdelay $0x1  }
0x171: {  	v5 =	vmul.f32 v3, v3;
	v3 =	vadd.f32 v3, v4;
	_ =	sdelay $0x1  }
0x172: {  	v2 =	vadd.f32 v5, v2;
	[tilespmem:s28+$0x80] =	vst v3;
	v3 =	vld [tilespmem:s28+$0x90]  }
0x173: {  	v4 =	vld [tilespmem:s25+$0x90];
	_ =	sdelay $0x4  }
0x174: {  	v3 =	vsub.f32 v3, v4;
	_ =	sdelay $0x1  }
0x175: {  	v5 =	vmul.f32 v3, v3;
	v3 =	vadd.f32 v3, v4;
	_ =	sdelay $0x1  }
0x176: {  	v2 =	vadd.f32 v5, v2;
	[tilespmem:s28+$0x90] =	vst v3;
	v3 =	vld [tilespmem:s28+$0xA0]  }
0x177: {  	v4 =	vld [tilespmem:s25+$0xA0];
	_ =	sdelay $0x4  }
0x178: {  	v3 =	vsub.f32 v3, v4;
	_ =	sdelay $0x1  }
0x179: {  	v5 =	vmul.f32 v3, v3;
	v3 =	vadd.f32 v3, v4;
	_ =	sdelay $0x1  }
0x17a: {  	v2 =	vadd.f32 v5, v2;
	[tilespmem:s28+$0xA0] =	vst v3;
	v3 =	vld [tilespmem:s28+$0xB0]  }
0x17b: {  	v4 =	vld [tilespmem:s25+$0xB0];
	_ =	sdelay $0x4  }
0x17c: {  	v3 =	vsub.f32 v3, v4;
	_ =	sdelay $0x1  }
0x17d: {  	v5 =	vmul.f32 v3, v3;
	v3 =	vadd.f32 v3, v4;
	_ =	sdelay $0x1  }
0x17e: {  	v2 =	vadd.f32 v5, v2;
	[tilespmem:s28+$0xB0] =	vst v3;
	v3 =	vld [tilespmem:s28+$0xC0]  }
0x17f: {  	v4 =	vld [tilespmem:s25+$0xC0];
	_ =	sdelay $0x4  }
0x180: {  	v3 =	vsub.f32 v3, v4;
	_ =	sdelay $0x1  }
0x181: {  	v5 =	vmul.f32 v3, v3;
	v3 =	vadd.f32 v3, v4;
	_ =	sdelay $0x1  }
0x182: {  	v2 =	vadd.f32 v5, v2;
	[tilespmem:s28+$0xC0] =	vst v3;
	v3 =	vld [tilespmem:s28+$0xD0]  }
0x183: {  	v4 =	vld [tilespmem:s25+$0xD0];
	_ =	sdelay $0x4  }
0x184: {  	v3 =	vsub.f32 v3, v4;
	_ =	sdelay $0x1  }
0x185: {  	v5 =	vmul.f32 v3, v3;
	v3 =	vadd.f32 v3, v4;
	_ =	sdelay $0x1  }
0x186: {  	v2 =	vadd.f32 v5, v2;
	[tilespmem:s28+$0xD0] =	vst v3;
	v3 =	vld [tilespmem:s28+$0xE0]  }
0x187: {  	v4 =	vld [tilespmem:s25+$0xE0];
	_ =	sdelay $0x4  }
0x188: {  	v3 =	vsub.f32 v3, v4;
	_ =	sdelay $0x1  }
0x189: {  	v5 =	vmul.f32 v3, v3;
	v3 =	vadd.f32 v3, v4;
	_ =	sdelay $0x1  }
0x18a: {  	v2 =	vadd.f32 v5, v2;
	[tilespmem:s28+$0xE0] =	vst v3;
	v3 =	vld [tilespmem:s28+$0xF0]  }
0x18b: {  	v4 =	vld [tilespmem:s25+$0xF0];
	_ =	sdelay $0x3  }
.Ltmp1:
0x18c: {  	(pc) =	sbr.rel @p1 .LBB2_4-.Ltmp1, $3  }
0x18d: {  	v5 =	vsub.f32 v3, v4;
	_ =	sdelay $0x1  }
0x18e: {  	v3 =	vmul.f32 v5, v5;
	v4 =	vadd.f32 v5, v4  }
0x18f: {  	s28 =	sadd.s32 $0x200, s28  }
0x190: {  	v2 =	vadd.f32 v3, v2  }
0x191: {  	[tilespmem:s24+$0xF0] =	vst v4  }
0x192: {  	[tilespmem:$0x122A0] =	vst v2  }
0x193: {  	[hbm4b:s11+s2] =	stream.linear.scatter [tilespmem:s21], [sflag:$0x4], $0x9000, $0x38;
	[tilespmem:$0x144B0] =	vst v63  }
0x194: {  	_ =	swait.ge [sflag:s15], $0x9000  }
0x195: {  	[sflag:s15] =	ssyncset.done $0x0  }
0x196: {  	[sflag:s15] =	ssyncadd.s32 $0xFFFF7000  }
0x197: {  	[hbm4b:s12+s2] =	stream.linear.scatter [tilespmem:s22], [sflag:$0x4], $0x10, $0x38;
	[tilespmem:$0x144B0] =	vst v63  }
0x198: {  	_ =	swait.ge [sflag:s15], $0x10  }
0x199: {  	[sflag:s15] =	ssyncset.done $0x0  }
0x19a: {  	s24 =	sshrl.u32 @!p0 s1, $0x3;
	s23 =	sadd.s32 $0x1, s23;
	[sflag:s15] =	ssyncadd.s32 $0xFFFFFFF0  }
0x19b: {  	s25 =	simm.s32 @!p0 $0x1C04;
	p1 =	sne.s32 s23, s14;
	[bflag:$0x0] =	sbarrier.arrive $0xFFFF  }
0x19c: {  	[hbm:s13], [sflag:s25] =	dma.local @!p0 [spmem:s24], $0x400  }
.Ltmp2:
0x19d: {  	_ = 	snop;
	(pc) =	sbr.rel @p1 .LBB2_1-.Ltmp2, $4  }
0x19e: {  	s24 =	simm.s32 @!p0 $0x4  }
0x19f: {  	_ =	swait.ge @!p0 [sflag:s24], $0x400  }
0x1a0: {  	[sflag:s24] =	ssyncset.done @!p0 $0x0  }
0x1a1: {  	[sflag:s24] =	ssyncadd.s32 @!p0 $0xFFFFFC00  }
0x1a2: {  	_ =	sfence.sel $0x180000  }
0x1a3: {  	[bflag:$0x0] =	sbarrier.arrive $0xFFFF  }
0x1a4: {  	_ =	strace $0x90000047  }
0x1a5: {  	[bflag:$0x2] =	sbarrier.arrive $0xFFFF  }
0x1a6: {  	s0 =	rddreg [dreg:$0x3]  }
0x1a7: {  	s0 =	sadd.s32 @!p0 $0x100000, s0  }
0x1a8: {  	[sflag:s0] =	ssyncadd.tile.s32 @!p0 $0x1;
	_ =	shalt  }
.Lfunc_end2:
_tile_overlayer_lowered:
.L_overlay_start_2:
0x1a9: {  	(tag) =	ssettag $0x2  }
0x1aa: {  	s0 =	rddreg [dreg:$0x0];
	s2 =	stileid.u32  }
0x1ab: {  	s1 =	rddreg [dreg:$0x1];
	p0 =	sne.s32 s2, $0x0  }
0x1ac: {  	s3 =	rddreg [dreg:$0x2];
	[bflag:$0x3] =	sbarrier.arrive $0xFFFF;
	s2 =	simm.s32 @!p0 $0x1C04  }
0x1ad: {  	[timem:s3], [sflag:s2] =	dma.local @!p0 [hbm:s0], s1  }
0x1ae: {  	s0 =	simm.s32 @!p0 $0x4  }
0x1af: {  	_ =	swait.ge @!p0 [sflag:s0], s1  }
0x1b0: {  	s1 =	ssub.s32 @!p0 $0x0, s1;
	[sflag:s0] =	ssyncset.done @!p0 $0x0  }
0x1b1: {  	[sflag:s0] =	ssyncadd.s32 @!p0 s1  }
0x1b2: {  	[bflag:$0x3] =	sbarrier.arrive $0xFFFF  }
0x1b3: {  	_ =	shalt  }

</sc_bundles>
